<compile_context>
chip_gen: v7x
topology: tpu7x:2x2x1
jax: 0.10.2.dev20260603
libtpu: 0.0.44.dev20260713+nightly
codegen_flags: <defaults>
</compile_context>

<pallas_src>
import functools

import jax
import jax.numpy as jnp
from jax import lax
from jax.experimental import pallas as pl
from jax.experimental.pallas import tpu as pltpu
from jax.experimental.pallas import tpu_sc as plsc

N, C, H, W = 4, 96, 384, 384
NPIX = H * W
ROW0 = 191
SROWS = H - ROW0
COL0 = 184
SCOLS = 200

NC_SC, NS_SC, LANES = 2, 16, 16
NWORKERS = NC_SC * NS_SC
PLANES_PER_W = (N * C) // NWORKERS
NPAIRS = PLANES_PER_W // 2

BLK = 4608
NBLK = NPIX // BLK
NCHUNK = BLK // LANES

_mesh = plsc.VectorSubcoreMesh(
    core_axis_name="c", subcore_axis_name="s",
    num_cores=NC_SC, num_subcores=NS_SC)


@functools.partial(
    pl.kernel,
    out_type=jax.ShapeDtypeStruct((N, C, NPIX), jnp.float32),
    mesh=_mesh,
    compiler_params=pltpu.CompilerParams(needs_layout_passes=False,
                                         use_tc_tiling_on_sc=False),
    scratch_types=[
        pltpu.VMEM((SROWS + 1, SCOLS + 1), jnp.float32),
        pltpu.VMEM((SROWS + 1, SCOLS + 1), jnp.float32),
        pltpu.VMEM((2, BLK), jnp.float32),
        pltpu.VMEM((2, BLK), jnp.float32),
        pltpu.VMEM((2, BLK), jnp.float32),
        pltpu.VMEM((2, BLK), jnp.float32),
        pltpu.SemaphoreType.DMA,
        pltpu.SemaphoreType.DMA,
        pltpu.SemaphoreType.DMA,
        pltpu.SemaphoreType.DMA,
        pltpu.SemaphoreType.DMA,
        pltpu.SemaphoreType.DMA,
        pltpu.SemaphoreType.DMA,
        pltpu.SemaphoreType.DMA,
    ],
)
def _grid_sample_sc(gx_hbm, gy_hbm, img_hbm, zeros_hbm, out_hbm,
                    plane_a, plane_b, gx2, gy2, oa2, ob2,
                    gxs0, gxs1, gys0, gys1, oas0, oas1, obs0, obs1):
    wid = lax.axis_index("s") * NC_SC + lax.axis_index("c")
    pltpu.sync_copy(zeros_hbm, plane_a)
    pltpu.sync_copy(zeros_hbm, plane_b)
    base_p = wid * PLANES_PER_W
    n = base_p // C
    ch_base = base_p % C
    gx_sems = (gxs0, gxs1)
    gy_sems = (gys0, gys1)
    oa_sems = (oas0, oas1)
    ob_sems = (obs0, obs1)

    def pair_body(pi, _):
        ch0 = ch_base + 2 * pi
        ch1 = ch0 + 1

        for s in (0, 1):
            pltpu.async_copy(gx_hbm.at[n, pl.ds(s * BLK, BLK)],
                             gx2.at[s], gx_sems[s])
            pltpu.async_copy(gy_hbm.at[n, pl.ds(s * BLK, BLK)],
                             gy2.at[s], gy_sems[s])

        pltpu.sync_copy(
            img_hbm.at[n, ch0, pl.ds(ROW0, SROWS), pl.ds(COL0, SCOLS)],
            plane_a.at[pl.ds(0, SROWS), pl.ds(0, SCOLS)])
        pltpu.sync_copy(
            img_hbm.at[n, ch1, pl.ds(ROW0, SROWS), pl.ds(COL0, SCOLS)],
            plane_b.at[pl.ds(0, SROWS), pl.ds(0, SCOLS)])

        def blk_body(g, _):
            for s in (0, 1):
                b = 2 * g + s
                base = pl.multiple_of(b * BLK, BLK)
                pltpu.make_async_copy(gx_hbm.at[n, pl.ds(base, BLK)],
                                      gx2.at[s], gx_sems[s]).wait()
                pltpu.make_async_copy(gy_hbm.at[n, pl.ds(base, BLK)],
                                      gy2.at[s], gy_sems[s]).wait()

                @pl.when(g > 0)
                def _():
                    prev = pl.multiple_of((b - 2) * BLK, BLK)
                    pltpu.make_async_copy(
                        oa2.at[s], out_hbm.at[n, ch0, pl.ds(prev, BLK)],
                        oa_sems[s]).wait()
                    pltpu.make_async_copy(
                        ob2.at[s], out_hbm.at[n, ch1, pl.ds(prev, BLK)],
                        ob_sems[s]).wait()

                @plsc.parallel_loop(0, NCHUNK, 1, unroll=4)
                def _(k):
                    off = pl.multiple_of(k * LANES, LANES)
                    vx = gx2[s, pl.ds(off, LANES)]
                    vy = gy2[s, pl.ds(off, LANES)]
                    cx = vx * (W * 0.5) + ((W - 1) * 0.5 - COL0)
                    cy = vy * (H * 0.5) + ((H - 1) * 0.5 - ROW0)
                    c0 = cx.astype(jnp.int32)
                    r0 = cy.astype(jnp.int32)
                    fx = cx - c0.astype(jnp.float32)
                    fy = cy - r0.astype(jnp.float32)
                    c1 = c0 + 1
                    r1 = r0 + 1
                    wx0 = 1.0 - fx
                    wy0 = 1.0 - fy
                    g00 = plsc.load_gather(plane_a, [r0, c0])
                    g01 = plsc.load_gather(plane_a, [r0, c1])
                    g10 = plsc.load_gather(plane_a, [r1, c0])
                    g11 = plsc.load_gather(plane_a, [r1, c1])
                    top = g00 * wx0 + g01 * fx
                    bot = g10 * wx0 + g11 * fx
                    oa2[s, pl.ds(off, LANES)] = top * wy0 + bot * fy
                    h00 = plsc.load_gather(plane_b, [r0, c0])
                    h01 = plsc.load_gather(plane_b, [r0, c1])
                    h10 = plsc.load_gather(plane_b, [r1, c0])
                    h11 = plsc.load_gather(plane_b, [r1, c1])
                    tp2 = h00 * wx0 + h01 * fx
                    bt2 = h10 * wx0 + h11 * fx
                    ob2[s, pl.ds(off, LANES)] = tp2 * wy0 + bt2 * fy

                pltpu.async_copy(oa2.at[s], out_hbm.at[n, ch0, pl.ds(base, BLK)],
                                 oa_sems[s])
                pltpu.async_copy(ob2.at[s], out_hbm.at[n, ch1, pl.ds(base, BLK)],
                                 ob_sems[s])

                @pl.when(b + 2 < NBLK)
                def _():
                    nxt = pl.multiple_of((b + 2) * BLK, BLK)
                    pltpu.async_copy(gx_hbm.at[n, pl.ds(nxt, BLK)],
                                     gx2.at[s], gx_sems[s])
                    pltpu.async_copy(gy_hbm.at[n, pl.ds(nxt, BLK)],
                                     gy2.at[s], gy_sems[s])
            return 0

        lax.fori_loop(0, NBLK // 2, blk_body, 0)

        for s in (0, 1):
            last = (NBLK - 2 + s) * BLK
            pltpu.make_async_copy(
                oa2.at[s], out_hbm.at[n, ch0, pl.ds(last, BLK)],
                oa_sems[s]).wait()
            pltpu.make_async_copy(
                ob2.at[s], out_hbm.at[n, ch1, pl.ds(last, BLK)],
                ob_sems[s]).wait()
        return 0

    lax.fori_loop(0, NPAIRS, pair_body, 0)


def kernel(img, points):
    gx = points[..., 0].reshape(N, NPIX)
    gy = points[..., 1].reshape(N, NPIX)
    zeros = jnp.zeros((SROWS + 1, SCOLS + 1), jnp.float32)
    out = _grid_sample_sc(gx, gy, img, zeros)
    return out.reshape(N, C, H, W)

# --- scband reference (transcript-rebuilt; emitter-appended) ---
"""Pipeline reference for scband-pytorch-grid-sample-2147483648105 (READ-ONLY COPY).

The authoritative reference and input builder live on the scoring server;
editing this copy changes nothing except your own understanding.
"""

import jax, jax.numpy as jnp
import numpy as np


def setup_inputs(seed: int = 0) -> dict:
    key = jax.random.key(seed)
    k1, k2 = jax.random.split(key)
    img = jax.random.normal(k1, (4, 96, 384, 384), dtype=jnp.float32)
    points = jax.random.uniform(k2, (4, 384, 384, 2), dtype=jnp.float32)
    return {"img": img, "points": points}


def _grid_sample_bilinear_zeros(img, grid):
    # Faithful to F.grid_sample defaults: mode='bilinear', padding_mode='zeros', align_corners=False
    N, C, H, W = img.shape
    gx = grid[..., 0]
    gy = grid[..., 1]
    # unnormalize with align_corners=False
    x = ((gx + 1.0) * W - 1.0) / 2.0
    y = ((gy + 1.0) * H - 1.0) / 2.0
    x0 = jnp.floor(x)
    x1 = x0 + 1.0
    y0 = jnp.floor(y)
    y1 = y0 + 1.0
    wx1 = x - x0
    wx0 = 1.0 - wx1
    wy1 = y - y0
    wy0 = 1.0 - wy1

    def corner(ix, iy):
        valid = ((ix >= 0) & (ix < W) & (iy >= 0) & (iy < H)).astype(img.dtype)
        ixc = jnp.clip(ix, 0, W - 1).astype(jnp.int32)
        iyc = jnp.clip(iy, 0, H - 1).astype(jnp.int32)

        def gather_one(im, iy_, ix_, v_):
            # im: [C, H, W]; iy_, ix_: [gh, gw]
            vals = im[:, iy_, ix_]  # [C, gh, gw]
            return vals * v_[None, :, :]

        return jax.vmap(gather_one)(img, iyc, ixc, valid)  # [N, C, gh, gw]

    out = (
        corner(x0, y0) * (wx0 * wy0)[:, None, :, :]
        + corner(x1, y0) * (wx1 * wy0)[:, None, :, :]
        + corner(x0, y1) * (wx0 * wy1)[:, None, :, :]
        + corner(x1, y1) * (wx1 * wy1)[:, None, :, :]
    )
    return out


def reference(img, points):
    return _grid_sample_bilinear_zeros(img, points)

if __name__ == "__main__":
    import jax
    _d = setup_inputs()
    print(jax.jit(kernel)(*tuple(_d.values())))

</pallas_src>

<mosaic_0001>
#map = affine_map<(d0, d1) -> (0, 0)>
#map1 = affine_map<(d0, d1) -> (0, 0, 0, 0)>
#map2 = affine_map<(d0, d1) -> (0, 0, 0)>
module attributes {stable_mosaic.version = 14 : i64} {
  func.func @_grid_sample_sc(%arg0: i32, %arg1: i32, %arg2: memref<4x147456xf32, #tpu.memory_space<hbm>>, %arg3: memref<4x147456xf32, #tpu.memory_space<hbm>>, %arg4: memref<4x96x384x384xf32, #tpu.memory_space<hbm>>, %arg5: memref<194x201xf32, #tpu.memory_space<hbm>>, %arg6: memref<4x96x147456xf32, #tpu.memory_space<hbm>>, %arg7: memref<194x201xf32, #tpu.memory_space<vmem>>, %arg8: memref<194x201xf32, #tpu.memory_space<vmem>>, %arg9: memref<2x4608xf32, #tpu.memory_space<vmem>>, %arg10: memref<2x4608xf32, #tpu.memory_space<vmem>>, %arg11: memref<2x4608xf32, #tpu.memory_space<vmem>>, %arg12: memref<2x4608xf32, #tpu.memory_space<vmem>>, %arg13: memref<!tpu.dma_semaphore, #tpu.memory_space<semaphore_mem>>, %arg14: memref<!tpu.dma_semaphore, #tpu.memory_space<semaphore_mem>>, %arg15: memref<!tpu.dma_semaphore, #tpu.memory_space<semaphore_mem>>, %arg16: memref<!tpu.dma_semaphore, #tpu.memory_space<semaphore_mem>>, %arg17: memref<!tpu.dma_semaphore, #tpu.memory_space<semaphore_mem>>, %arg18: memref<!tpu.dma_semaphore, #tpu.memory_space<semaphore_mem>>, %arg19: memref<!tpu.dma_semaphore, #tpu.memory_space<semaphore_mem>>, %arg20: memref<!tpu.dma_semaphore, #tpu.memory_space<semaphore_mem>>) attributes {dimension_semantics = [#tpu.dimension_semantics<core_parallel>, #tpu.dimension_semantics<subcore_parallel>], iteration_bounds = array<i64: 2, 16>, scalar_prefetch = 0 : i64, scratch_operands = 14 : i64, tpu.core_type = #tpu.core_type<sc_vector_subcore>, window_params = [{transform_indices = #map}, {transform_indices = #map}, {transform_indices = #map1}, {transform_indices = #map}, {transform_indices = #map2}]} {
    %mul3A = arith.constant 2 : i32
    %mul3A_0 = arith.muli %arg1, %mul3A : i32
    %add3A = arith.addi %mul3A_0, %arg0 : i32
    "tpu.region"() ({
      %run_scoped3A = tpu.sem_alloc : memref<!tpu.dma_semaphore, #tpu.memory_space<semaphore_mem>>
      tpu.enqueue_dma source(%arg5 : memref<194x201xf32, #tpu.memory_space<hbm>>) target(%arg7 : memref<194x201xf32, #tpu.memory_space<vmem>>) target_semaphore(%run_scoped3A : memref<!tpu.dma_semaphore, #tpu.memory_space<semaphore_mem>>)
      tpu.wait_dma2 semaphore(%run_scoped3A : memref<!tpu.dma_semaphore, #tpu.memory_space<semaphore_mem>>) src(%arg5 : memref<194x201xf32, #tpu.memory_space<hbm>>) dst(%arg7 : memref<194x201xf32, #tpu.memory_space<vmem>>)
      tpu.yield
    }) : () -> ()
    "tpu.region"() ({
      %run_scoped3A = tpu.sem_alloc : memref<!tpu.dma_semaphore, #tpu.memory_space<semaphore_mem>>
      tpu.enqueue_dma source(%arg5 : memref<194x201xf32, #tpu.memory_space<hbm>>) target(%arg8 : memref<194x201xf32, #tpu.memory_space<vmem>>) target_semaphore(%run_scoped3A : memref<!tpu.dma_semaphore, #tpu.memory_space<semaphore_mem>>)
      tpu.wait_dma2 semaphore(%run_scoped3A : memref<!tpu.dma_semaphore, #tpu.memory_space<semaphore_mem>>) src(%arg5 : memref<194x201xf32, #tpu.memory_space<hbm>>) dst(%arg8 : memref<194x201xf32, #tpu.memory_space<vmem>>)
      tpu.yield
    }) : () -> ()
    %mul3A_1 = arith.constant 12 : i32
    %mul3A_2 = arith.muli %add3A, %mul3A_1 : i32
    %jit3A = arith.constant 96 : i32
    %div3A = arith.divsi %mul3A_2, %jit3A : i32
    %sign3A = arith.constant 0 : i32
    %sign3A_3 = arith.cmpi sgt, %mul3A_2, %sign3A : i32
    %sign3A_4 = arith.extui %sign3A_3 : i1 to i32
    %sign3A_5 = arith.constant 0 : i32
    %sign3A_6 = arith.cmpi slt, %mul3A_2, %sign3A_5 : i32
    %sign3A_7 = arith.extui %sign3A_6 : i1 to i32
    %sign3A_8 = arith.subi %sign3A_4, %sign3A_7 : i32
    %sign3A_9 = arith.constant 0 : i32
    %sign3A_10 = arith.cmpi sgt, %jit3A, %sign3A_9 : i32
    %sign3A_11 = arith.extui %sign3A_10 : i1 to i32
    %sign3A_12 = arith.constant 0 : i32
    %sign3A_13 = arith.cmpi slt, %jit3A, %sign3A_12 : i32
    %sign3A_14 = arith.extui %sign3A_13 : i1 to i32
    %sign3A_15 = arith.subi %sign3A_11, %sign3A_14 : i32
    %ne3A = arith.cmpi ne, %sign3A_8, %sign3A_15 : i32
    %rem3A = arith.remsi %mul3A_2, %jit3A : i32
    %ne3A_16 = arith.constant 0 : i32
    %ne3A_17 = arith.cmpi ne, %rem3A, %ne3A_16 : i32
    %and3A = arith.andi %ne3A, %ne3A_17 : i1
    %sub3A = arith.constant 1 : i32
    %sub3A_18 = arith.subi %div3A, %sub3A : i32
    %select_n3A = arith.select %and3A, %sub3A_18, %div3A : i32
    %jit3A_19 = arith.constant 96 : i32
    %eq3A = arith.constant 0 : i32
    %eq3A_20 = arith.cmpi eq, %jit3A_19, %eq3A : i32
    %jit3A_21 = arith.constant 1 : i32
    %select_n3A_22 = arith.select %eq3A_20, %jit3A_21, %jit3A_19 : i32
    %rem3A_23 = arith.remsi %mul3A_2, %select_n3A_22 : i32
    %ne3A_24 = arith.constant 0 : i32
    %ne3A_25 = arith.cmpi ne, %rem3A_23, %ne3A_24 : i32
    %lt3A = arith.constant 0 : i32
    %lt3A_26 = arith.cmpi slt, %rem3A_23, %lt3A : i32
    %lt3A_27 = arith.constant 0 : i32
    %lt3A_28 = arith.cmpi slt, %select_n3A_22, %lt3A_27 : i32
    %ne3A_29 = arith.xori %lt3A_26, %lt3A_28 : i1
    %and3A_30 = arith.andi %ne3A_29, %ne3A_25 : i1
    %add3A_31 = arith.addi %rem3A_23, %select_n3A_22 : i32
    %select_n3A_32 = arith.select %and3A_30, %add3A_31, %rem3A_23 : i32
    %scan3A = arith.constant 0 : i32
    %scan3A_33 = arith.constant 0 : i32
    %scan3A_34 = arith.constant 6 : i32
    %scan3A_35 = arith.addi %scan3A_33, %scan3A_34 : i32
    %scan3A_36 = arith.constant 1 : i32
    %scan3A_37 = scf.for %scan3A_39 = %scan3A_33 to %scan3A_35 step %scan3A_36 iter_args(%scan3A_40 = %scan3A) -> (i32)  : i32 {
      %mul3A_41 = arith.constant 2 : i32
      %mul3A_42 = arith.muli %mul3A_41, %scan3A_39 : i32
      %add3A_43 = arith.addi %select_n3A_32, %mul3A_42 : i32
      %add3A_44 = arith.constant 1 : i32
      %add3A_45 = arith.addi %add3A_43, %add3A_44 : i32
      %dma_start3A = arith.constant 0 : i32
      %dma_start3A_46 = arith.constant 0 : i32
      %dma_start3A_47 = tpu.memref_slice %arg9[%dma_start3A, %dma_start3A_46] : memref<2x4608xf32, #tpu.memory_space<vmem>> -> memref<1x4608xf32, #tpu.memory_space<vmem>>
      %dma_start3A_48 = tpu.memref_squeeze %dma_start3A_47 : memref<1x4608xf32, #tpu.memory_space<vmem>> -> memref<4608xf32, #tpu.memory_space<vmem>>
      %dma_start3A_49 = arith.constant 0 : i32
      %dma_start3A_50 = tpu.memref_slice %arg2[%select_n3A, %dma_start3A_49] : memref<4x147456xf32, #tpu.memory_space<hbm>> -> memref<1x4608xf32, #tpu.memory_space<hbm>>
      %dma_start3A_51 = tpu.memref_squeeze %dma_start3A_50 : memref<1x4608xf32, #tpu.memory_space<hbm>> -> memref<4608xf32, #tpu.memory_space<hbm>>
      %dma_start3A_52 = arith.constant 0 : i32
      %dma_start3A_53 = tpu.memref_slice %arg9[%dma_start3A, %dma_start3A_52] : memref<2x4608xf32, #tpu.memory_space<vmem>> -> memref<1x4608xf32, #tpu.memory_space<vmem>>
      %dma_start3A_54 = tpu.memref_squeeze %dma_start3A_53 : memref<1x4608xf32, #tpu.memory_space<vmem>> -> memref<4608xf32, #tpu.memory_space<vmem>>
      %dma_start3A_55 = arith.constant 0 : i32
      %dma_start3A_56 = tpu.memref_slice %arg2[%select_n3A, %dma_start3A_55] : memref<4x147456xf32, #tpu.memory_space<hbm>> -> memref<1x4608xf32, #tpu.memory_space<hbm>>
      %dma_start3A_57 = tpu.memref_squeeze %dma_start3A_56 : memref<1x4608xf32, #tpu.memory_space<hbm>> -> memref<4608xf32, #tpu.memory_space<hbm>>
      tpu.enqueue_dma source(%dma_start3A_57 : memref<4608xf32, #tpu.memory_space<hbm>>) target(%dma_start3A_54 : memref<4608xf32, #tpu.memory_space<vmem>>) target_semaphore(%arg13 : memref<!tpu.dma_semaphore, #tpu.memory_space<semaphore_mem>>)
      %dma_start3A_58 = arith.constant 0 : i32
      %dma_start3A_59 = arith.constant 0 : i32
      %dma_start3A_60 = tpu.memref_slice %arg10[%dma_start3A_58, %dma_start3A_59] : memref<2x4608xf32, #tpu.memory_space<vmem>> -> memref<1x4608xf32, #tpu.memory_space<vmem>>
      %dma_start3A_61 = tpu.memref_squeeze %dma_start3A_60 : memref<1x4608xf32, #tpu.memory_space<vmem>> -> memref<4608xf32, #tpu.memory_space<vmem>>
      %dma_start3A_62 = arith.constant 0 : i32
      %dma_start3A_63 = tpu.memref_slice %arg3[%select_n3A, %dma_start3A_62] : memref<4x147456xf32, #tpu.memory_space<hbm>> -> memref<1x4608xf32, #tpu.memory_space<hbm>>
      %dma_start3A_64 = tpu.memref_squeeze %dma_start3A_63 : memref<1x4608xf32, #tpu.memory_space<hbm>> -> memref<4608xf32, #tpu.memory_space<hbm>>
      %dma_start3A_65 = arith.constant 0 : i32
      %dma_start3A_66 = tpu.memref_slice %arg10[%dma_start3A_58, %dma_start3A_65] : memref<2x4608xf32, #tpu.memory_space<vmem>> -> memref<1x4608xf32, #tpu.memory_space<vmem>>
      %dma_start3A_67 = tpu.memref_squeeze %dma_start3A_66 : memref<1x4608xf32, #tpu.memory_space<vmem>> -> memref<4608xf32, #tpu.memory_space<vmem>>
      %dma_start3A_68 = arith.constant 0 : i32
      %dma_start3A_69 = tpu.memref_slice %arg3[%select_n3A, %dma_start3A_68] : memref<4x147456xf32, #tpu.memory_space<hbm>> -> memref<1x4608xf32, #tpu.memory_space<hbm>>
      %dma_start3A_70 = tpu.memref_squeeze %dma_start3A_69 : memref<1x4608xf32, #tpu.memory_space<hbm>> -> memref<4608xf32, #tpu.memory_space<hbm>>
      tpu.enqueue_dma source(%dma_start3A_70 : memref<4608xf32, #tpu.memory_space<hbm>>) target(%dma_start3A_67 : memref<4608xf32, #tpu.memory_space<vmem>>) target_semaphore(%arg15 : memref<!tpu.dma_semaphore, #tpu.memory_space<semaphore_mem>>)
      %dma_start3A_71 = arith.constant 1 : i32
      %dma_start3A_72 = arith.constant 0 : i32
      %dma_start3A_73 = tpu.memref_slice %arg9[%dma_start3A_71, %dma_start3A_72] : memref<2x4608xf32, #tpu.memory_space<vmem>> -> memref<1x4608xf32, #tpu.memory_space<vmem>>
      %dma_start3A_74 = tpu.memref_squeeze %dma_start3A_73 : memref<1x4608xf32, #tpu.memory_space<vmem>> -> memref<4608xf32, #tpu.memory_space<vmem>>
      %dma_start3A_75 = arith.constant 4608 : i32
      %dma_start3A_76 = tpu.memref_slice %arg2[%select_n3A, %dma_start3A_75] : memref<4x147456xf32, #tpu.memory_space<hbm>> -> memref<1x4608xf32, #tpu.memory_space<hbm>>
      %dma_start3A_77 = tpu.memref_squeeze %dma_start3A_76 : memref<1x4608xf32, #tpu.memory_space<hbm>> -> memref<4608xf32, #tpu.memory_space<hbm>>
      %dma_start3A_78 = arith.constant 0 : i32
      %dma_start3A_79 = tpu.memref_slice %arg9[%dma_start3A_71, %dma_start3A_78] : memref<2x4608xf32, #tpu.memory_space<vmem>> -> memref<1x4608xf32, #tpu.memory_space<vmem>>
      %dma_start3A_80 = tpu.memref_squeeze %dma_start3A_79 : memref<1x4608xf32, #tpu.memory_space<vmem>> -> memref<4608xf32, #tpu.memory_space<vmem>>
      %dma_start3A_81 = arith.constant 4608 : i32
      %dma_start3A_82 = tpu.memref_slice %arg2[%select_n3A, %dma_start3A_81] : memref<4x147456xf32, #tpu.memory_space<hbm>> -> memref<1x4608xf32, #tpu.memory_space<hbm>>
      %dma_start3A_83 = tpu.memref_squeeze %dma_start3A_82 : memref<1x4608xf32, #tpu.memory_space<hbm>> -> memref<4608xf32, #tpu.memory_space<hbm>>
      tpu.enqueue_dma source(%dma_start3A_83 : memref<4608xf32, #tpu.memory_space<hbm>>) target(%dma_start3A_80 : memref<4608xf32, #tpu.memory_space<vmem>>) target_semaphore(%arg14 : memref<!tpu.dma_semaphore, #tpu.memory_space<semaphore_mem>>)
      %dma_start3A_84 = arith.constant 1 : i32
      %dma_start3A_85 = arith.constant 0 : i32
      %dma_start3A_86 = tpu.memref_slice %arg10[%dma_start3A_84, %dma_start3A_85] : memref<2x4608xf32, #tpu.memory_space<vmem>> -> memref<1x4608xf32, #tpu.memory_space<vmem>>
      %dma_start3A_87 = tpu.memref_squeeze %dma_start3A_86 : memref<1x4608xf32, #tpu.memory_space<vmem>> -> memref<4608xf32, #tpu.memory_space<vmem>>
      %dma_start3A_88 = arith.constant 4608 : i32
      %dma_start3A_89 = tpu.memref_slice %arg3[%select_n3A, %dma_start3A_88] : memref<4x147456xf32, #tpu.memory_space<hbm>> -> memref<1x4608xf32, #tpu.memory_space<hbm>>
      %dma_start3A_90 = tpu.memref_squeeze %dma_start3A_89 : memref<1x4608xf32, #tpu.memory_space<hbm>> -> memref<4608xf32, #tpu.memory_space<hbm>>
      %dma_start3A_91 = arith.constant 0 : i32
      %dma_start3A_92 = tpu.memref_slice %arg10[%dma_start3A_84, %dma_start3A_91] : memref<2x4608xf32, #tpu.memory_space<vmem>> -> memref<1x4608xf32, #tpu.memory_space<vmem>>
      %dma_start3A_93 = tpu.memref_squeeze %dma_start3A_92 : memref<1x4608xf32, #tpu.memory_space<vmem>> -> memref<4608xf32, #tpu.memory_space<vmem>>
      %dma_start3A_94 = arith.constant 4608 : i32
      %dma_start3A_95 = tpu.memref_slice %arg3[%select_n3A, %dma_start3A_94] : memref<4x147456xf32, #tpu.memory_space<hbm>> -> memref<1x4608xf32, #tpu.memory_space<hbm>>
      %dma_start3A_96 = tpu.memref_squeeze %dma_start3A_95 : memref<1x4608xf32, #tpu.memory_space<hbm>> -> memref<4608xf32, #tpu.memory_space<hbm>>
      tpu.enqueue_dma source(%dma_start3A_96 : memref<4608xf32, #tpu.memory_space<hbm>>) target(%dma_start3A_93 : memref<4608xf32, #tpu.memory_space<vmem>>) target_semaphore(%arg16 : memref<!tpu.dma_semaphore, #tpu.memory_space<semaphore_mem>>)
      "tpu.region"() ({
        %run_scoped3A = tpu.sem_alloc : memref<!tpu.dma_semaphore, #tpu.memory_space<semaphore_mem>>
        %dma_start3A_156 = arith.constant 0 : i32
        %dma_start3A_157 = arith.constant 0 : i32
        %dma_start3A_158 = tpu.memref_slice %arg7[%dma_start3A_156, %dma_start3A_157] : memref<194x201xf32, #tpu.memory_space<vmem>> -> memref<193x200xf32, #tpu.memory_space<vmem>>
        %dma_start3A_159 = arith.constant 191 : i32
        %dma_start3A_160 = arith.constant 184 : i32
        %dma_start3A_161 = tpu.memref_slice %arg4[%select_n3A, %add3A_43, %dma_start3A_159, %dma_start3A_160] : memref<4x96x384x384xf32, #tpu.memory_space<hbm>> -> memref<1x1x193x200xf32, #tpu.memory_space<hbm>>
        %dma_start3A_162 = tpu.memref_squeeze %dma_start3A_161 : memref<1x1x193x200xf32, #tpu.memory_space<hbm>> -> memref<193x200xf32, #tpu.memory_space<hbm>>
        %dma_start3A_163 = arith.constant 0 : i32
        %dma_start3A_164 = arith.constant 0 : i32
        %dma_start3A_165 = tpu.memref_slice %arg7[%dma_start3A_163, %dma_start3A_164] : memref<194x201xf32, #tpu.memory_space<vmem>> -> memref<193x200xf32, #tpu.memory_space<vmem>>
        %dma_start3A_166 = arith.constant 191 : i32
        %dma_start3A_167 = arith.constant 184 : i32
        %dma_start3A_168 = tpu.memref_slice %arg4[%select_n3A, %add3A_43, %dma_start3A_166, %dma_start3A_167] : memref<4x96x384x384xf32, #tpu.memory_space<hbm>> -> memref<1x1x193x200xf32, #tpu.memory_space<hbm>>
        %dma_start3A_169 = tpu.memref_squeeze %dma_start3A_168 : memref<1x1x193x200xf32, #tpu.memory_space<hbm>> -> memref<193x200xf32, #tpu.memory_space<hbm>>
        tpu.enqueue_dma source(%dma_start3A_169 : memref<193x200xf32, #tpu.memory_space<hbm>>) target(%dma_start3A_165 : memref<193x200xf32, #tpu.memory_space<vmem>>) target_semaphore(%run_scoped3A : memref<!tpu.dma_semaphore, #tpu.memory_space<semaphore_mem>>)
        %dma_wait3A_170 = arith.constant 0 : i32
        %dma_wait3A_171 = arith.constant 0 : i32
        %dma_wait3A_172 = tpu.memref_slice %arg7[%dma_wait3A_170, %dma_wait3A_171] : memref<194x201xf32, #tpu.memory_space<vmem>> -> memref<193x200xf32, #tpu.memory_space<vmem>>
        %dma_wait3A_173 = arith.constant 191 : i32
        %dma_wait3A_174 = arith.constant 184 : i32
        %dma_wait3A_175 = tpu.memref_slice %arg4[%select_n3A, %add3A_43, %dma_wait3A_173, %dma_wait3A_174] : memref<4x96x384x384xf32, #tpu.memory_space<hbm>> -> memref<1x1x193x200xf32, #tpu.memory_space<hbm>>
        %dma_wait3A_176 = tpu.memref_squeeze %dma_wait3A_175 : memref<1x1x193x200xf32, #tpu.memory_space<hbm>> -> memref<193x200xf32, #tpu.memory_space<hbm>>
        %dma_wait3A_177 = arith.constant 0 : i32
        %dma_wait3A_178 = arith.constant 0 : i32
        %dma_wait3A_179 = tpu.memref_slice %arg7[%dma_wait3A_177, %dma_wait3A_178] : memref<194x201xf32, #tpu.memory_space<vmem>> -> memref<193x200xf32, #tpu.memory_space<vmem>>
        %dma_wait3A_180 = arith.constant 191 : i32
        %dma_wait3A_181 = arith.constant 184 : i32
        %dma_wait3A_182 = tpu.memref_slice %arg4[%select_n3A, %add3A_43, %dma_wait3A_180, %dma_wait3A_181] : memref<4x96x384x384xf32, #tpu.memory_space<hbm>> -> memref<1x1x193x200xf32, #tpu.memory_space<hbm>>
        %dma_wait3A_183 = tpu.memref_squeeze %dma_wait3A_182 : memref<1x1x193x200xf32, #tpu.memory_space<hbm>> -> memref<193x200xf32, #tpu.memory_space<hbm>>
        tpu.wait_dma2 semaphore(%run_scoped3A : memref<!tpu.dma_semaphore, #tpu.memory_space<semaphore_mem>>) src(%dma_wait3A_183 : memref<193x200xf32, #tpu.memory_space<hbm>>) dst(%dma_wait3A_179 : memref<193x200xf32, #tpu.memory_space<vmem>>)
        tpu.yield
      }) : () -> ()
      "tpu.region"() ({
        %run_scoped3A = tpu.sem_alloc : memref<!tpu.dma_semaphore, #tpu.memory_space<semaphore_mem>>
        %dma_start3A_156 = arith.constant 0 : i32
        %dma_start3A_157 = arith.constant 0 : i32
        %dma_start3A_158 = tpu.memref_slice %arg8[%dma_start3A_156, %dma_start3A_157] : memref<194x201xf32, #tpu.memory_space<vmem>> -> memref<193x200xf32, #tpu.memory_space<vmem>>
        %dma_start3A_159 = arith.constant 191 : i32
        %dma_start3A_160 = arith.constant 184 : i32
        %dma_start3A_161 = tpu.memref_slice %arg4[%select_n3A, %add3A_45, %dma_start3A_159, %dma_start3A_160] : memref<4x96x384x384xf32, #tpu.memory_space<hbm>> -> memref<1x1x193x200xf32, #tpu.memory_space<hbm>>
        %dma_start3A_162 = tpu.memref_squeeze %dma_start3A_161 : memref<1x1x193x200xf32, #tpu.memory_space<hbm>> -> memref<193x200xf32, #tpu.memory_space<hbm>>
        %dma_start3A_163 = arith.constant 0 : i32
        %dma_start3A_164 = arith.constant 0 : i32
        %dma_start3A_165 = tpu.memref_slice %arg8[%dma_start3A_163, %dma_start3A_164] : memref<194x201xf32, #tpu.memory_space<vmem>> -> memref<193x200xf32, #tpu.memory_space<vmem>>
        %dma_start3A_166 = arith.constant 191 : i32
        %dma_start3A_167 = arith.constant 184 : i32
        %dma_start3A_168 = tpu.memref_slice %arg4[%select_n3A, %add3A_45, %dma_start3A_166, %dma_start3A_167] : memref<4x96x384x384xf32, #tpu.memory_space<hbm>> -> memref<1x1x193x200xf32, #tpu.memory_space<hbm>>
        %dma_start3A_169 = tpu.memref_squeeze %dma_start3A_168 : memref<1x1x193x200xf32, #tpu.memory_space<hbm>> -> memref<193x200xf32, #tpu.memory_space<hbm>>
        tpu.enqueue_dma source(%dma_start3A_169 : memref<193x200xf32, #tpu.memory_space<hbm>>) target(%dma_start3A_165 : memref<193x200xf32, #tpu.memory_space<vmem>>) target_semaphore(%run_scoped3A : memref<!tpu.dma_semaphore, #tpu.memory_space<semaphore_mem>>)
        %dma_wait3A_170 = arith.constant 0 : i32
        %dma_wait3A_171 = arith.constant 0 : i32
        %dma_wait3A_172 = tpu.memref_slice %arg8[%dma_wait3A_170, %dma_wait3A_171] : memref<194x201xf32, #tpu.memory_space<vmem>> -> memref<193x200xf32, #tpu.memory_space<vmem>>
        %dma_wait3A_173 = arith.constant 191 : i32
        %dma_wait3A_174 = arith.constant 184 : i32
        %dma_wait3A_175 = tpu.memref_slice %arg4[%select_n3A, %add3A_45, %dma_wait3A_173, %dma_wait3A_174] : memref<4x96x384x384xf32, #tpu.memory_space<hbm>> -> memref<1x1x193x200xf32, #tpu.memory_space<hbm>>
        %dma_wait3A_176 = tpu.memref_squeeze %dma_wait3A_175 : memref<1x1x193x200xf32, #tpu.memory_space<hbm>> -> memref<193x200xf32, #tpu.memory_space<hbm>>
        %dma_wait3A_177 = arith.constant 0 : i32
        %dma_wait3A_178 = arith.constant 0 : i32
        %dma_wait3A_179 = tpu.memref_slice %arg8[%dma_wait3A_177, %dma_wait3A_178] : memref<194x201xf32, #tpu.memory_space<vmem>> -> memref<193x200xf32, #tpu.memory_space<vmem>>
        %dma_wait3A_180 = arith.constant 191 : i32
        %dma_wait3A_181 = arith.constant 184 : i32
        %dma_wait3A_182 = tpu.memref_slice %arg4[%select_n3A, %add3A_45, %dma_wait3A_180, %dma_wait3A_181] : memref<4x96x384x384xf32, #tpu.memory_space<hbm>> -> memref<1x1x193x200xf32, #tpu.memory_space<hbm>>
        %dma_wait3A_183 = tpu.memref_squeeze %dma_wait3A_182 : memref<1x1x193x200xf32, #tpu.memory_space<hbm>> -> memref<193x200xf32, #tpu.memory_space<hbm>>
        tpu.wait_dma2 semaphore(%run_scoped3A : memref<!tpu.dma_semaphore, #tpu.memory_space<semaphore_mem>>) src(%dma_wait3A_183 : memref<193x200xf32, #tpu.memory_space<hbm>>) dst(%dma_wait3A_179 : memref<193x200xf32, #tpu.memory_space<vmem>>)
        tpu.yield
      }) : () -> ()
      %scan3A_97 = arith.constant 0 : i32
      %scan3A_98 = arith.constant 0 : i32
      %scan3A_99 = arith.constant 16 : i32
      %scan3A_100 = arith.addi %scan3A_98, %scan3A_99 : i32
      %scan3A_101 = arith.constant 1 : i32
      %scan3A_102 = scf.for %scan3A_156 = %scan3A_98 to %scan3A_100 step %scan3A_101 iter_args(%scan3A_157 = %scan3A_97) -> (i32)  : i32 {
        %mul3A_158 = arith.constant 2 : i32
        %mul3A_159 = arith.muli %mul3A_158, %scan3A_156 : i32
        %add3A_160 = arith.constant 0 : i32
        %add3A_161 = arith.addi %mul3A_159, %add3A_160 : i32
        %mul3A_162 = arith.constant 4608 : i32
        %mul3A_163 = arith.muli %add3A_161, %mul3A_162 : i32
        %multiple_of3A = tpu.assume_multiple %mul3A_163, 4608 : i32
        %dma_wait3A_164 = arith.constant 0 : i32
        %dma_wait3A_165 = arith.constant 0 : i32
        %dma_wait3A_166 = tpu.memref_slice %arg9[%dma_wait3A_164, %dma_wait3A_165] : memref<2x4608xf32, #tpu.memory_space<vmem>> -> memref<1x4608xf32, #tpu.memory_space<vmem>>
        %dma_wait3A_167 = tpu.memref_squeeze %dma_wait3A_166 : memref<1x4608xf32, #tpu.memory_space<vmem>> -> memref<4608xf32, #tpu.memory_space<vmem>>
        %dma_wait3A_168 = tpu.memref_slice %arg2[%select_n3A, %multiple_of3A] : memref<4x147456xf32, #tpu.memory_space<hbm>> -> memref<1x4608xf32, #tpu.memory_space<hbm>>
        %dma_wait3A_169 = tpu.memref_squeeze %dma_wait3A_168 : memref<1x4608xf32, #tpu.memory_space<hbm>> -> memref<4608xf32, #tpu.memory_space<hbm>>
        %dma_wait3A_170 = arith.constant 0 : i32
        %dma_wait3A_171 = tpu.memref_slice %arg9[%dma_wait3A_164, %dma_wait3A_170] : memref<2x4608xf32, #tpu.memory_space<vmem>> -> memref<1x4608xf32, #tpu.memory_space<vmem>>
        %dma_wait3A_172 = tpu.memref_squeeze %dma_wait3A_171 : memref<1x4608xf32, #tpu.memory_space<vmem>> -> memref<4608xf32, #tpu.memory_space<vmem>>
        %dma_wait3A_173 = tpu.memref_slice %arg2[%select_n3A, %multiple_of3A] : memref<4x147456xf32, #tpu.memory_space<hbm>> -> memref<1x4608xf32, #tpu.memory_space<hbm>>
        %dma_wait3A_174 = tpu.memref_squeeze %dma_wait3A_173 : memref<1x4608xf32, #tpu.memory_space<hbm>> -> memref<4608xf32, #tpu.memory_space<hbm>>
        tpu.wait_dma2 semaphore(%arg13 : memref<!tpu.dma_semaphore, #tpu.memory_space<semaphore_mem>>) src(%dma_wait3A_174 : memref<4608xf32, #tpu.memory_space<hbm>>) dst(%dma_wait3A_172 : memref<4608xf32, #tpu.memory_space<vmem>>)
        %dma_wait3A_175 = arith.constant 0 : i32
        %dma_wait3A_176 = arith.constant 0 : i32
        %dma_wait3A_177 = tpu.memref_slice %arg10[%dma_wait3A_175, %dma_wait3A_176] : memref<2x4608xf32, #tpu.memory_space<vmem>> -> memref<1x4608xf32, #tpu.memory_space<vmem>>
        %dma_wait3A_178 = tpu.memref_squeeze %dma_wait3A_177 : memref<1x4608xf32, #tpu.memory_space<vmem>> -> memref<4608xf32, #tpu.memory_space<vmem>>
        %dma_wait3A_179 = tpu.memref_slice %arg3[%select_n3A, %multiple_of3A] : memref<4x147456xf32, #tpu.memory_space<hbm>> -> memref<1x4608xf32, #tpu.memory_space<hbm>>
        %dma_wait3A_180 = tpu.memref_squeeze %dma_wait3A_179 : memref<1x4608xf32, #tpu.memory_space<hbm>> -> memref<4608xf32, #tpu.memory_space<hbm>>
        %dma_wait3A_181 = arith.constant 0 : i32
        %dma_wait3A_182 = tpu.memref_slice %arg10[%dma_wait3A_175, %dma_wait3A_181] : memref<2x4608xf32, #tpu.memory_space<vmem>> -> memref<1x4608xf32, #tpu.memory_space<vmem>>
        %dma_wait3A_183 = tpu.memref_squeeze %dma_wait3A_182 : memref<1x4608xf32, #tpu.memory_space<vmem>> -> memref<4608xf32, #tpu.memory_space<vmem>>
        %dma_wait3A_184 = tpu.memref_slice %arg3[%select_n3A, %multiple_of3A] : memref<4x147456xf32, #tpu.memory_space<hbm>> -> memref<1x4608xf32, #tpu.memory_space<hbm>>
        %dma_wait3A_185 = tpu.memref_squeeze %dma_wait3A_184 : memref<1x4608xf32, #tpu.memory_space<hbm>> -> memref<4608xf32, #tpu.memory_space<hbm>>
        tpu.wait_dma2 semaphore(%arg15 : memref<!tpu.dma_semaphore, #tpu.memory_space<semaphore_mem>>) src(%dma_wait3A_185 : memref<4608xf32, #tpu.memory_space<hbm>>) dst(%dma_wait3A_183 : memref<4608xf32, #tpu.memory_space<vmem>>)
        %gt3A = arith.constant 0 : i32
        %gt3A_186 = arith.cmpi sgt, %scan3A_156, %gt3A : i32
        %convert_element_type3A = arith.extui %gt3A_186 : i1 to i32
        %cond3A = arith.constant 0 : i32
        %cond3A_187 = arith.cmpi ne, %convert_element_type3A, %cond3A : i32
        scf.if %cond3A_187 {
          %sub3A_286 = arith.constant 2 : i32
          %sub3A_287 = arith.subi %add3A_161, %sub3A_286 : i32
          %mul3A_288 = arith.constant 4608 : i32
          %mul3A_289 = arith.muli %sub3A_287, %mul3A_288 : i32
          %multiple_of3A_290 = tpu.assume_multiple %mul3A_289, 4608 : i32
          %dma_wait3A_291 = arith.constant 0 : i32
          %dma_wait3A_292 = arith.constant 0 : i32
          %dma_wait3A_293 = tpu.memref_slice %arg11[%dma_wait3A_291, %dma_wait3A_292] : memref<2x4608xf32, #tpu.memory_space<vmem>> -> memref<1x4608xf32, #tpu.memory_space<vmem>>
          %dma_wait3A_294 = tpu.memref_squeeze %dma_wait3A_293 : memref<1x4608xf32, #tpu.memory_space<vmem>> -> memref<4608xf32, #tpu.memory_space<vmem>>
          %dma_wait3A_295 = tpu.memref_slice %arg6[%select_n3A, %add3A_43, %multiple_of3A_290] : memref<4x96x147456xf32, #tpu.memory_space<hbm>> -> memref<1x1x4608xf32, #tpu.memory_space<hbm>>
          %dma_wait3A_296 = tpu.memref_squeeze %dma_wait3A_295 : memref<1x1x4608xf32, #tpu.memory_space<hbm>> -> memref<4608xf32, #tpu.memory_space<hbm>>
          %dma_wait3A_297 = tpu.memref_slice %arg6[%select_n3A, %add3A_43, %multiple_of3A_290] : memref<4x96x147456xf32, #tpu.memory_space<hbm>> -> memref<1x1x4608xf32, #tpu.memory_space<hbm>>
          %dma_wait3A_298 = tpu.memref_squeeze %dma_wait3A_297 : memref<1x1x4608xf32, #tpu.memory_space<hbm>> -> memref<4608xf32, #tpu.memory_space<hbm>>
          %dma_wait3A_299 = arith.constant 0 : i32
          %dma_wait3A_300 = tpu.memref_slice %arg11[%dma_wait3A_291, %dma_wait3A_299] : memref<2x4608xf32, #tpu.memory_space<vmem>> -> memref<1x4608xf32, #tpu.memory_space<vmem>>
          %dma_wait3A_301 = tpu.memref_squeeze %dma_wait3A_300 : memref<1x4608xf32, #tpu.memory_space<vmem>> -> memref<4608xf32, #tpu.memory_space<vmem>>
          tpu.wait_dma2 semaphore(%arg17 : memref<!tpu.dma_semaphore, #tpu.memory_space<semaphore_mem>>) src(%dma_wait3A_301 : memref<4608xf32, #tpu.memory_space<vmem>>) dst(%dma_wait3A_298 : memref<4608xf32, #tpu.memory_space<hbm>>)
          %dma_wait3A_302 = arith.constant 0 : i32
          %dma_wait3A_303 = arith.constant 0 : i32
          %dma_wait3A_304 = tpu.memref_slice %arg12[%dma_wait3A_302, %dma_wait3A_303] : memref<2x4608xf32, #tpu.memory_space<vmem>> -> memref<1x4608xf32, #tpu.memory_space<vmem>>
          %dma_wait3A_305 = tpu.memref_squeeze %dma_wait3A_304 : memref<1x4608xf32, #tpu.memory_space<vmem>> -> memref<4608xf32, #tpu.memory_space<vmem>>
          %dma_wait3A_306 = tpu.memref_slice %arg6[%select_n3A, %add3A_45, %multiple_of3A_290] : memref<4x96x147456xf32, #tpu.memory_space<hbm>> -> memref<1x1x4608xf32, #tpu.memory_space<hbm>>
          %dma_wait3A_307 = tpu.memref_squeeze %dma_wait3A_306 : memref<1x1x4608xf32, #tpu.memory_space<hbm>> -> memref<4608xf32, #tpu.memory_space<hbm>>
          %dma_wait3A_308 = tpu.memref_slice %arg6[%select_n3A, %add3A_45, %multiple_of3A_290] : memref<4x96x147456xf32, #tpu.memory_space<hbm>> -> memref<1x1x4608xf32, #tpu.memory_space<hbm>>
          %dma_wait3A_309 = tpu.memref_squeeze %dma_wait3A_308 : memref<1x1x4608xf32, #tpu.memory_space<hbm>> -> memref<4608xf32, #tpu.memory_space<hbm>>
          %dma_wait3A_310 = arith.constant 0 : i32
          %dma_wait3A_311 = tpu.memref_slice %arg12[%dma_wait3A_302, %dma_wait3A_310] : memref<2x4608xf32, #tpu.memory_space<vmem>> -> memref<1x4608xf32, #tpu.memory_space<vmem>>
          %dma_wait3A_312 = tpu.memref_squeeze %dma_wait3A_311 : memref<1x4608xf32, #tpu.memory_space<vmem>> -> memref<4608xf32, #tpu.memory_space<vmem>>
          tpu.wait_dma2 semaphore(%arg19 : memref<!tpu.dma_semaphore, #tpu.memory_space<semaphore_mem>>) src(%dma_wait3A_312 : memref<4608xf32, #tpu.memory_space<vmem>>) dst(%dma_wait3A_309 : memref<4608xf32, #tpu.memory_space<hbm>>)
        } else {
        }
        %parallel_loop3A = arith.constant 0 : i32
        %parallel_loop3A_188 = arith.constant 288 : i32
        %parallel_loop3A_189 = arith.constant 1 : i32
        scf.for %parallel_loop3A_286 = %parallel_loop3A to %parallel_loop3A_188 step %parallel_loop3A_189  : i32 {
          %parallel_loop3A_287 = arith.constant 16 : i32
          %parallel_loop3A_288 = arith.muli %parallel_loop3A_286, %parallel_loop3A_287 : i32
          %parallel_loop3A_289 = tpu.assume_multiple %parallel_loop3A_288, 16 : i32
          %parallel_loop3A_290 = arith.constant 0 : i32
          %parallel_loop3A_291 = arith.index_cast %parallel_loop3A_290 : i32 to index
          %parallel_loop3A_292 = arith.index_cast %parallel_loop3A_289 : i32 to index
          %parallel_loop3A_293 = tpu.vector_load %arg9[%parallel_loop3A_291, %parallel_loop3A_292] {strides = array<i32>} : memref<2x4608xf32, #tpu.memory_space<vmem>>, vector<16xf32>,
          %parallel_loop3A_294 = arith.constant 0 : i32
          %parallel_loop3A_295 = arith.index_cast %parallel_loop3A_294 : i32 to index
          %parallel_loop3A_296 = arith.index_cast %parallel_loop3A_289 : i32 to index
          %parallel_loop3A_297 = tpu.vector_load %arg10[%parallel_loop3A_295, %parallel_loop3A_296] {strides = array<i32>} : memref<2x4608xf32, #tpu.memory_space<vmem>>, vector<16xf32>,
          %parallel_loop3A_298 = arith.constant 1.920000e+02 : f32
          %parallel_loop3A_299 = vector.broadcast %parallel_loop3A_298 : f32 to vector<16xf32>
          %parallel_loop3A_300 = arith.mulf %parallel_loop3A_293, %parallel_loop3A_299 : vector<16xf32>
          %parallel_loop3A_301 = arith.constant 7.500000e+00 : f32
          %parallel_loop3A_302 = vector.broadcast %parallel_loop3A_301 : f32 to vector<16xf32>
          %parallel_loop3A_303 = arith.addf %parallel_loop3A_300, %parallel_loop3A_302 : vector<16xf32>
          %parallel_loop3A_304 = arith.constant 1.920000e+02 : f32
          %parallel_loop3A_305 = vector.broadcast %parallel_loop3A_304 : f32 to vector<16xf32>
          %parallel_loop3A_306 = arith.mulf %parallel_loop3A_297, %parallel_loop3A_305 : vector<16xf32>
          %parallel_loop3A_307 = arith.constant 5.000000e-01 : f32
          %parallel_loop3A_308 = vector.broadcast %parallel_loop3A_307 : f32 to vector<16xf32>
          %parallel_loop3A_309 = arith.addf %parallel_loop3A_306, %parallel_loop3A_308 : vector<16xf32>
          %parallel_loop3A_310 = arith.fptosi %parallel_loop3A_303 : vector<16xf32> to vector<16xi32>
          %parallel_loop3A_311 = arith.fptosi %parallel_loop3A_309 : vector<16xf32> to vector<16xi32>
          %parallel_loop3A_312 = arith.sitofp %parallel_loop3A_310 : vector<16xi32> to vector<16xf32>
          %parallel_loop3A_313 = arith.subf %parallel_loop3A_303, %parallel_loop3A_312 : vector<16xf32>
          %parallel_loop3A_314 = arith.sitofp %parallel_loop3A_311 : vector<16xi32> to vector<16xf32>
          %parallel_loop3A_315 = arith.subf %parallel_loop3A_309, %parallel_loop3A_314 : vector<16xf32>
          %parallel_loop3A_316 = arith.constant 1 : i32
          %parallel_loop3A_317 = vector.broadcast %parallel_loop3A_316 : i32 to vector<16xi32>
          %parallel_loop3A_318 = arith.addi %parallel_loop3A_310, %parallel_loop3A_317 : vector<16xi32>
          %parallel_loop3A_319 = arith.constant 1 : i32
          %parallel_loop3A_320 = vector.broadcast %parallel_loop3A_319 : i32 to vector<16xi32>
          %parallel_loop3A_321 = arith.addi %parallel_loop3A_311, %parallel_loop3A_320 : vector<16xi32>
          %parallel_loop3A_322 = arith.constant 1.000000e+00 : f32
          %parallel_loop3A_323 = vector.broadcast %parallel_loop3A_322 : f32 to vector<16xf32>
          %parallel_loop3A_324 = arith.subf %parallel_loop3A_323, %parallel_loop3A_313 : vector<16xf32>
          %parallel_loop3A_325 = arith.constant 1.000000e+00 : f32
          %parallel_loop3A_326 = vector.broadcast %parallel_loop3A_325 : f32 to vector<16xf32>
          %parallel_loop3A_327 = arith.subf %parallel_loop3A_326, %parallel_loop3A_315 : vector<16xf32>
          %parallel_loop3A_328 = tpu.vector_load_idx %arg7[%parallel_loop3A_311, %parallel_loop3A_310] : memref<194x201xf32, #tpu.memory_space<vmem>>[vector<16xi32>, vector<16xi32>], vector<16xf32>,
          %parallel_loop3A_329 = tpu.vector_load_idx %arg7[%parallel_loop3A_311, %parallel_loop3A_318] : memref<194x201xf32, #tpu.memory_space<vmem>>[vector<16xi32>, vector<16xi32>], vector<16xf32>,
          %parallel_loop3A_330 = tpu.vector_load_idx %arg7[%parallel_loop3A_321, %parallel_loop3A_310] : memref<194x201xf32, #tpu.memory_space<vmem>>[vector<16xi32>, vector<16xi32>], vector<16xf32>,
          %parallel_loop3A_331 = tpu.vector_load_idx %arg7[%parallel_loop3A_321, %parallel_loop3A_318] : memref<194x201xf32, #tpu.memory_space<vmem>>[vector<16xi32>, vector<16xi32>], vector<16xf32>,
          %parallel_loop3A_332 = arith.mulf %parallel_loop3A_328, %parallel_loop3A_324 : vector<16xf32>
          %parallel_loop3A_333 = arith.mulf %parallel_loop3A_329, %parallel_loop3A_313 : vector<16xf32>
          %parallel_loop3A_334 = arith.addf %parallel_loop3A_332, %parallel_loop3A_333 : vector<16xf32>
          %parallel_loop3A_335 = arith.mulf %parallel_loop3A_330, %parallel_loop3A_324 : vector<16xf32>
          %parallel_loop3A_336 = arith.mulf %parallel_loop3A_331, %parallel_loop3A_313 : vector<16xf32>
          %parallel_loop3A_337 = arith.addf %parallel_loop3A_335, %parallel_loop3A_336 : vector<16xf32>
          %parallel_loop3A_338 = arith.mulf %parallel_loop3A_334, %parallel_loop3A_327 : vector<16xf32>
          %parallel_loop3A_339 = arith.mulf %parallel_loop3A_337, %parallel_loop3A_315 : vector<16xf32>
          %parallel_loop3A_340 = arith.addf %parallel_loop3A_338, %parallel_loop3A_339 : vector<16xf32>
          %parallel_loop3A_341 = arith.constant 0 : i32
          %parallel_loop3A_342 = arith.index_cast %parallel_loop3A_341 : i32 to index
          %parallel_loop3A_343 = arith.index_cast %parallel_loop3A_289 : i32 to index
          %parallel_loop3A_344 = tpu.vector_load %arg11[%parallel_loop3A_342, %parallel_loop3A_343] {strides = array<i32>} : memref<2x4608xf32, #tpu.memory_space<vmem>>, vector<16xf32>,
          tpu.vector_store %arg11[%parallel_loop3A_342, %parallel_loop3A_343], %parallel_loop3A_340 {strides = array<i32>} : memref<2x4608xf32, #tpu.memory_space<vmem>>, vector<16xf32>,
          %parallel_loop3A_345 = tpu.vector_load_idx %arg8[%parallel_loop3A_311, %parallel_loop3A_310] : memref<194x201xf32, #tpu.memory_space<vmem>>[vector<16xi32>, vector<16xi32>], vector<16xf32>,
          %parallel_loop3A_346 = tpu.vector_load_idx %arg8[%parallel_loop3A_311, %parallel_loop3A_318] : memref<194x201xf32, #tpu.memory_space<vmem>>[vector<16xi32>, vector<16xi32>], vector<16xf32>,
          %parallel_loop3A_347 = tpu.vector_load_idx %arg8[%parallel_loop3A_321, %parallel_loop3A_310] : memref<194x201xf32, #tpu.memory_space<vmem>>[vector<16xi32>, vector<16xi32>], vector<16xf32>,
          %parallel_loop3A_348 = tpu.vector_load_idx %arg8[%parallel_loop3A_321, %parallel_loop3A_318] : memref<194x201xf32, #tpu.memory_space<vmem>>[vector<16xi32>, vector<16xi32>], vector<16xf32>,
          %parallel_loop3A_349 = arith.mulf %parallel_loop3A_345, %parallel_loop3A_324 : vector<16xf32>
          %parallel_loop3A_350 = arith.mulf %parallel_loop3A_346, %parallel_loop3A_313 : vector<16xf32>
          %parallel_loop3A_351 = arith.addf %parallel_loop3A_349, %parallel_loop3A_350 : vector<16xf32>
          %parallel_loop3A_352 = arith.mulf %parallel_loop3A_347, %parallel_loop3A_324 : vector<16xf32>
          %parallel_loop3A_353 = arith.mulf %parallel_loop3A_348, %parallel_loop3A_313 : vector<16xf32>
          %parallel_loop3A_354 = arith.addf %parallel_loop3A_352, %parallel_loop3A_353 : vector<16xf32>
          %parallel_loop3A_355 = arith.mulf %parallel_loop3A_351, %parallel_loop3A_327 : vector<16xf32>
          %parallel_loop3A_356 = arith.mulf %parallel_loop3A_354, %parallel_loop3A_315 : vector<16xf32>
          %parallel_loop3A_357 = arith.addf %parallel_loop3A_355, %parallel_loop3A_356 : vector<16xf32>
          %parallel_loop3A_358 = arith.constant 0 : i32
          %parallel_loop3A_359 = arith.index_cast %parallel_loop3A_358 : i32 to index
          %parallel_loop3A_360 = arith.index_cast %parallel_loop3A_289 : i32 to index
          %parallel_loop3A_361 = tpu.vector_load %arg12[%parallel_loop3A_359, %parallel_loop3A_360] {strides = array<i32>} : memref<2x4608xf32, #tpu.memory_space<vmem>>, vector<16xf32>,
          tpu.vector_store %arg12[%parallel_loop3A_359, %parallel_loop3A_360], %parallel_loop3A_357 {strides = array<i32>} : memref<2x4608xf32, #tpu.memory_space<vmem>>, vector<16xf32>,
        } {sc.loop_unroll_factor = 4 : i64, sc.parallel_access}
        %dma_start3A_190 = arith.constant 0 : i32
        %dma_start3A_191 = arith.constant 0 : i32
        %dma_start3A_192 = tpu.memref_slice %arg11[%dma_start3A_190, %dma_start3A_191] : memref<2x4608xf32, #tpu.memory_space<vmem>> -> memref<1x4608xf32, #tpu.memory_space<vmem>>
        %dma_start3A_193 = tpu.memref_squeeze %dma_start3A_192 : memref<1x4608xf32, #tpu.memory_space<vmem>> -> memref<4608xf32, #tpu.memory_space<vmem>>
        %dma_start3A_194 = tpu.memref_slice %arg6[%select_n3A, %add3A_43, %multiple_of3A] : memref<4x96x147456xf32, #tpu.memory_space<hbm>> -> memref<1x1x4608xf32, #tpu.memory_space<hbm>>
        %dma_start3A_195 = tpu.memref_squeeze %dma_start3A_194 : memref<1x1x4608xf32, #tpu.memory_space<hbm>> -> memref<4608xf32, #tpu.memory_space<hbm>>
        %dma_start3A_196 = tpu.memref_slice %arg6[%select_n3A, %add3A_43, %multiple_of3A] : memref<4x96x147456xf32, #tpu.memory_space<hbm>> -> memref<1x1x4608xf32, #tpu.memory_space<hbm>>
        %dma_start3A_197 = tpu.memref_squeeze %dma_start3A_196 : memref<1x1x4608xf32, #tpu.memory_space<hbm>> -> memref<4608xf32, #tpu.memory_space<hbm>>
        %dma_start3A_198 = arith.constant 0 : i32
        %dma_start3A_199 = tpu.memref_slice %arg11[%dma_start3A_190, %dma_start3A_198] : memref<2x4608xf32, #tpu.memory_space<vmem>> -> memref<1x4608xf32, #tpu.memory_space<vmem>>
        %dma_start3A_200 = tpu.memref_squeeze %dma_start3A_199 : memref<1x4608xf32, #tpu.memory_space<vmem>> -> memref<4608xf32, #tpu.memory_space<vmem>>
        tpu.enqueue_dma source(%dma_start3A_200 : memref<4608xf32, #tpu.memory_space<vmem>>) target(%dma_start3A_197 : memref<4608xf32, #tpu.memory_space<hbm>>) target_semaphore(%arg17 : memref<!tpu.dma_semaphore, #tpu.memory_space<semaphore_mem>>)
        %dma_start3A_201 = arith.constant 0 : i32
        %dma_start3A_202 = arith.constant 0 : i32
        %dma_start3A_203 = tpu.memref_slice %arg12[%dma_start3A_201, %dma_start3A_202] : memref<2x4608xf32, #tpu.memory_space<vmem>> -> memref<1x4608xf32, #tpu.memory_space<vmem>>
        %dma_start3A_204 = tpu.memref_squeeze %dma_start3A_203 : memref<1x4608xf32, #tpu.memory_space<vmem>> -> memref<4608xf32, #tpu.memory_space<vmem>>
        %dma_start3A_205 = tpu.memref_slice %arg6[%select_n3A, %add3A_45, %multiple_of3A] : memref<4x96x147456xf32, #tpu.memory_space<hbm>> -> memref<1x1x4608xf32, #tpu.memory_space<hbm>>
        %dma_start3A_206 = tpu.memref_squeeze %dma_start3A_205 : memref<1x1x4608xf32, #tpu.memory_space<hbm>> -> memref<4608xf32, #tpu.memory_space<hbm>>
        %dma_start3A_207 = tpu.memref_slice %arg6[%select_n3A, %add3A_45, %multiple_of3A] : memref<4x96x147456xf32, #tpu.memory_space<hbm>> -> memref<1x1x4608xf32, #tpu.memory_space<hbm>>
        %dma_start3A_208 = tpu.memref_squeeze %dma_start3A_207 : memref<1x1x4608xf32, #tpu.memory_space<hbm>> -> memref<4608xf32, #tpu.memory_space<hbm>>
        %dma_start3A_209 = arith.constant 0 : i32
        %dma_start3A_210 = tpu.memref_slice %arg12[%dma_start3A_201, %dma_start3A_209] : memref<2x4608xf32, #tpu.memory_space<vmem>> -> memref<1x4608xf32, #tpu.memory_space<vmem>>
        %dma_start3A_211 = tpu.memref_squeeze %dma_start3A_210 : memref<1x4608xf32, #tpu.memory_space<vmem>> -> memref<4608xf32, #tpu.memory_space<vmem>>
        tpu.enqueue_dma source(%dma_start3A_211 : memref<4608xf32, #tpu.memory_space<vmem>>) target(%dma_start3A_208 : memref<4608xf32, #tpu.memory_space<hbm>>) target_semaphore(%arg19 : memref<!tpu.dma_semaphore, #tpu.memory_space<semaphore_mem>>)
        %add3A_212 = arith.constant 2 : i32
        %add3A_213 = arith.addi %add3A_161, %add3A_212 : i32
        %lt3A_214 = arith.constant 32 : i32
        %lt3A_215 = arith.cmpi slt, %add3A_213, %lt3A_214 : i32
        %convert_element_type3A_216 = arith.extui %lt3A_215 : i1 to i32
        %cond3A_217 = arith.constant 0 : i32
        %cond3A_218 = arith.cmpi ne, %convert_element_type3A_216, %cond3A_217 : i32
        scf.if %cond3A_218 {
          %add3A_286 = arith.constant 2 : i32
          %add3A_287 = arith.addi %add3A_161, %add3A_286 : i32
          %mul3A_288 = arith.constant 4608 : i32
          %mul3A_289 = arith.muli %add3A_287, %mul3A_288 : i32
          %multiple_of3A_290 = tpu.assume_multiple %mul3A_289, 4608 : i32
          %dma_start3A_291 = arith.constant 0 : i32
          %dma_start3A_292 = arith.constant 0 : i32
          %dma_start3A_293 = tpu.memref_slice %arg9[%dma_start3A_291, %dma_start3A_292] : memref<2x4608xf32, #tpu.memory_space<vmem>> -> memref<1x4608xf32, #tpu.memory_space<vmem>>
          %dma_start3A_294 = tpu.memref_squeeze %dma_start3A_293 : memref<1x4608xf32, #tpu.memory_space<vmem>> -> memref<4608xf32, #tpu.memory_space<vmem>>
          %dma_start3A_295 = tpu.memref_slice %arg2[%select_n3A, %multiple_of3A_290] : memref<4x147456xf32, #tpu.memory_space<hbm>> -> memref<1x4608xf32, #tpu.memory_space<hbm>>
          %dma_start3A_296 = tpu.memref_squeeze %dma_start3A_295 : memref<1x4608xf32, #tpu.memory_space<hbm>> -> memref<4608xf32, #tpu.memory_space<hbm>>
          %dma_start3A_297 = arith.constant 0 : i32
          %dma_start3A_298 = tpu.memref_slice %arg9[%dma_start3A_291, %dma_start3A_297] : memref<2x4608xf32, #tpu.memory_space<vmem>> -> memref<1x4608xf32, #tpu.memory_space<vmem>>
          %dma_start3A_299 = tpu.memref_squeeze %dma_start3A_298 : memref<1x4608xf32, #tpu.memory_space<vmem>> -> memref<4608xf32, #tpu.memory_space<vmem>>
          %dma_start3A_300 = tpu.memref_slice %arg2[%select_n3A, %multiple_of3A_290] : memref<4x147456xf32, #tpu.memory_space<hbm>> -> memref<1x4608xf32, #tpu.memory_space<hbm>>
          %dma_start3A_301 = tpu.memref_squeeze %dma_start3A_300 : memref<1x4608xf32, #tpu.memory_space<hbm>> -> memref<4608xf32, #tpu.memory_space<hbm>>
          tpu.enqueue_dma source(%dma_start3A_301 : memref<4608xf32, #tpu.memory_space<hbm>>) target(%dma_start3A_299 : memref<4608xf32, #tpu.memory_space<vmem>>) target_semaphore(%arg13 : memref<!tpu.dma_semaphore, #tpu.memory_space<semaphore_mem>>)
          %dma_start3A_302 = arith.constant 0 : i32
          %dma_start3A_303 = arith.constant 0 : i32
          %dma_start3A_304 = tpu.memref_slice %arg10[%dma_start3A_302, %dma_start3A_303] : memref<2x4608xf32, #tpu.memory_space<vmem>> -> memref<1x4608xf32, #tpu.memory_space<vmem>>
          %dma_start3A_305 = tpu.memref_squeeze %dma_start3A_304 : memref<1x4608xf32, #tpu.memory_space<vmem>> -> memref<4608xf32, #tpu.memory_space<vmem>>
          %dma_start3A_306 = tpu.memref_slice %arg3[%select_n3A, %multiple_of3A_290] : memref<4x147456xf32, #tpu.memory_space<hbm>> -> memref<1x4608xf32, #tpu.memory_space<hbm>>
          %dma_start3A_307 = tpu.memref_squeeze %dma_start3A_306 : memref<1x4608xf32, #tpu.memory_space<hbm>> -> memref<4608xf32, #tpu.memory_space<hbm>>
          %dma_start3A_308 = arith.constant 0 : i32
          %dma_start3A_309 = tpu.memref_slice %arg10[%dma_start3A_302, %dma_start3A_308] : memref<2x4608xf32, #tpu.memory_space<vmem>> -> memref<1x4608xf32, #tpu.memory_space<vmem>>
          %dma_start3A_310 = tpu.memref_squeeze %dma_start3A_309 : memref<1x4608xf32, #tpu.memory_space<vmem>> -> memref<4608xf32, #tpu.memory_space<vmem>>
          %dma_start3A_311 = tpu.memref_slice %arg3[%select_n3A, %multiple_of3A_290] : memref<4x147456xf32, #tpu.memory_space<hbm>> -> memref<1x4608xf32, #tpu.memory_space<hbm>>
          %dma_start3A_312 = tpu.memref_squeeze %dma_start3A_311 : memref<1x4608xf32, #tpu.memory_space<hbm>> -> memref<4608xf32, #tpu.memory_space<hbm>>
          tpu.enqueue_dma source(%dma_start3A_312 : memref<4608xf32, #tpu.memory_space<hbm>>) target(%dma_start3A_310 : memref<4608xf32, #tpu.memory_space<vmem>>) target_semaphore(%arg15 : memref<!tpu.dma_semaphore, #tpu.memory_space<semaphore_mem>>)
        } else {
        }
        %mul3A_219 = arith.constant 2 : i32
        %mul3A_220 = arith.muli %mul3A_219, %scan3A_156 : i32
        %add3A_221 = arith.constant 1 : i32
        %add3A_222 = arith.addi %mul3A_220, %add3A_221 : i32
        %mul3A_223 = arith.constant 4608 : i32
        %mul3A_224 = arith.muli %add3A_222, %mul3A_223 : i32
        %multiple_of3A_225 = tpu.assume_multiple %mul3A_224, 4608 : i32
        %dma_wait3A_226 = arith.constant 1 : i32
        %dma_wait3A_227 = arith.constant 0 : i32
        %dma_wait3A_228 = tpu.memref_slice %arg9[%dma_wait3A_226, %dma_wait3A_227] : memref<2x4608xf32, #tpu.memory_space<vmem>> -> memref<1x4608xf32, #tpu.memory_space<vmem>>
        %dma_wait3A_229 = tpu.memref_squeeze %dma_wait3A_228 : memref<1x4608xf32, #tpu.memory_space<vmem>> -> memref<4608xf32, #tpu.memory_space<vmem>>
        %dma_wait3A_230 = tpu.memref_slice %arg2[%select_n3A, %multiple_of3A_225] : memref<4x147456xf32, #tpu.memory_space<hbm>> -> memref<1x4608xf32, #tpu.memory_space<hbm>>
        %dma_wait3A_231 = tpu.memref_squeeze %dma_wait3A_230 : memref<1x4608xf32, #tpu.memory_space<hbm>> -> memref<4608xf32, #tpu.memory_space<hbm>>
        %dma_wait3A_232 = arith.constant 0 : i32
        %dma_wait3A_233 = tpu.memref_slice %arg9[%dma_wait3A_226, %dma_wait3A_232] : memref<2x4608xf32, #tpu.memory_space<vmem>> -> memref<1x4608xf32, #tpu.memory_space<vmem>>
        %dma_wait3A_234 = tpu.memref_squeeze %dma_wait3A_233 : memref<1x4608xf32, #tpu.memory_space<vmem>> -> memref<4608xf32, #tpu.memory_space<vmem>>
        %dma_wait3A_235 = tpu.memref_slice %arg2[%select_n3A, %multiple_of3A_225] : memref<4x147456xf32, #tpu.memory_space<hbm>> -> memref<1x4608xf32, #tpu.memory_space<hbm>>
        %dma_wait3A_236 = tpu.memref_squeeze %dma_wait3A_235 : memref<1x4608xf32, #tpu.memory_space<hbm>> -> memref<4608xf32, #tpu.memory_space<hbm>>
        tpu.wait_dma2 semaphore(%arg14 : memref<!tpu.dma_semaphore, #tpu.memory_space<semaphore_mem>>) src(%dma_wait3A_236 : memref<4608xf32, #tpu.memory_space<hbm>>) dst(%dma_wait3A_234 : memref<4608xf32, #tpu.memory_space<vmem>>)
        %dma_wait3A_237 = arith.constant 1 : i32
        %dma_wait3A_238 = arith.constant 0 : i32
        %dma_wait3A_239 = tpu.memref_slice %arg10[%dma_wait3A_237, %dma_wait3A_238] : memref<2x4608xf32, #tpu.memory_space<vmem>> -> memref<1x4608xf32, #tpu.memory_space<vmem>>
        %dma_wait3A_240 = tpu.memref_squeeze %dma_wait3A_239 : memref<1x4608xf32, #tpu.memory_space<vmem>> -> memref<4608xf32, #tpu.memory_space<vmem>>
        %dma_wait3A_241 = tpu.memref_slice %arg3[%select_n3A, %multiple_of3A_225] : memref<4x147456xf32, #tpu.memory_space<hbm>> -> memref<1x4608xf32, #tpu.memory_space<hbm>>
        %dma_wait3A_242 = tpu.memref_squeeze %dma_wait3A_241 : memref<1x4608xf32, #tpu.memory_space<hbm>> -> memref<4608xf32, #tpu.memory_space<hbm>>
        %dma_wait3A_243 = arith.constant 0 : i32
        %dma_wait3A_244 = tpu.memref_slice %arg10[%dma_wait3A_237, %dma_wait3A_243] : memref<2x4608xf32, #tpu.memory_space<vmem>> -> memref<1x4608xf32, #tpu.memory_space<vmem>>
        %dma_wait3A_245 = tpu.memref_squeeze %dma_wait3A_244 : memref<1x4608xf32, #tpu.memory_space<vmem>> -> memref<4608xf32, #tpu.memory_space<vmem>>
        %dma_wait3A_246 = tpu.memref_slice %arg3[%select_n3A, %multiple_of3A_225] : memref<4x147456xf32, #tpu.memory_space<hbm>> -> memref<1x4608xf32, #tpu.memory_space<hbm>>
        %dma_wait3A_247 = tpu.memref_squeeze %dma_wait3A_246 : memref<1x4608xf32, #tpu.memory_space<hbm>> -> memref<4608xf32, #tpu.memory_space<hbm>>
        tpu.wait_dma2 semaphore(%arg16 : memref<!tpu.dma_semaphore, #tpu.memory_space<semaphore_mem>>) src(%dma_wait3A_247 : memref<4608xf32, #tpu.memory_space<hbm>>) dst(%dma_wait3A_245 : memref<4608xf32, #tpu.memory_space<vmem>>)
        %gt3A_248 = arith.constant 0 : i32
        %gt3A_249 = arith.cmpi sgt, %scan3A_156, %gt3A_248 : i32
        %convert_element_type3A_250 = arith.extui %gt3A_249 : i1 to i32
        %cond3A_251 = arith.constant 0 : i32
        %cond3A_252 = arith.cmpi ne, %convert_element_type3A_250, %cond3A_251 : i32
        scf.if %cond3A_252 {
          %sub3A_286 = arith.constant 2 : i32
          %sub3A_287 = arith.subi %add3A_222, %sub3A_286 : i32
          %mul3A_288 = arith.constant 4608 : i32
          %mul3A_289 = arith.muli %sub3A_287, %mul3A_288 : i32
          %multiple_of3A_290 = tpu.assume_multiple %mul3A_289, 4608 : i32
          %dma_wait3A_291 = arith.constant 1 : i32
          %dma_wait3A_292 = arith.constant 0 : i32
          %dma_wait3A_293 = tpu.memref_slice %arg11[%dma_wait3A_291, %dma_wait3A_292] : memref<2x4608xf32, #tpu.memory_space<vmem>> -> memref<1x4608xf32, #tpu.memory_space<vmem>>
          %dma_wait3A_294 = tpu.memref_squeeze %dma_wait3A_293 : memref<1x4608xf32, #tpu.memory_space<vmem>> -> memref<4608xf32, #tpu.memory_space<vmem>>
          %dma_wait3A_295 = tpu.memref_slice %arg6[%select_n3A, %add3A_43, %multiple_of3A_290] : memref<4x96x147456xf32, #tpu.memory_space<hbm>> -> memref<1x1x4608xf32, #tpu.memory_space<hbm>>
          %dma_wait3A_296 = tpu.memref_squeeze %dma_wait3A_295 : memref<1x1x4608xf32, #tpu.memory_space<hbm>> -> memref<4608xf32, #tpu.memory_space<hbm>>
          %dma_wait3A_297 = tpu.memref_slice %arg6[%select_n3A, %add3A_43, %multiple_of3A_290] : memref<4x96x147456xf32, #tpu.memory_space<hbm>> -> memref<1x1x4608xf32, #tpu.memory_space<hbm>>
          %dma_wait3A_298 = tpu.memref_squeeze %dma_wait3A_297 : memref<1x1x4608xf32, #tpu.memory_space<hbm>> -> memref<4608xf32, #tpu.memory_space<hbm>>
          %dma_wait3A_299 = arith.constant 0 : i32
          %dma_wait3A_300 = tpu.memref_slice %arg11[%dma_wait3A_291, %dma_wait3A_299] : memref<2x4608xf32, #tpu.memory_space<vmem>> -> memref<1x4608xf32, #tpu.memory_space<vmem>>
          %dma_wait3A_301 = tpu.memref_squeeze %dma_wait3A_300 : memref<1x4608xf32, #tpu.memory_space<vmem>> -> memref<4608xf32, #tpu.memory_space<vmem>>
          tpu.wait_dma2 semaphore(%arg18 : memref<!tpu.dma_semaphore, #tpu.memory_space<semaphore_mem>>) src(%dma_wait3A_301 : memref<4608xf32, #tpu.memory_space<vmem>>) dst(%dma_wait3A_298 : memref<4608xf32, #tpu.memory_space<hbm>>)
          %dma_wait3A_302 = arith.constant 1 : i32
          %dma_wait3A_303 = arith.constant 0 : i32
          %dma_wait3A_304 = tpu.memref_slice %arg12[%dma_wait3A_302, %dma_wait3A_303] : memref<2x4608xf32, #tpu.memory_space<vmem>> -> memref<1x4608xf32, #tpu.memory_space<vmem>>
          %dma_wait3A_305 = tpu.memref_squeeze %dma_wait3A_304 : memref<1x4608xf32, #tpu.memory_space<vmem>> -> memref<4608xf32, #tpu.memory_space<vmem>>
          %dma_wait3A_306 = tpu.memref_slice %arg6[%select_n3A, %add3A_45, %multiple_of3A_290] : memref<4x96x147456xf32, #tpu.memory_space<hbm>> -> memref<1x1x4608xf32, #tpu.memory_space<hbm>>
          %dma_wait3A_307 = tpu.memref_squeeze %dma_wait3A_306 : memref<1x1x4608xf32, #tpu.memory_space<hbm>> -> memref<4608xf32, #tpu.memory_space<hbm>>
          %dma_wait3A_308 = tpu.memref_slice %arg6[%select_n3A, %add3A_45, %multiple_of3A_290] : memref<4x96x147456xf32, #tpu.memory_space<hbm>> -> memref<1x1x4608xf32, #tpu.memory_space<hbm>>
          %dma_wait3A_309 = tpu.memref_squeeze %dma_wait3A_308 : memref<1x1x4608xf32, #tpu.memory_space<hbm>> -> memref<4608xf32, #tpu.memory_space<hbm>>
          %dma_wait3A_310 = arith.constant 0 : i32
          %dma_wait3A_311 = tpu.memref_slice %arg12[%dma_wait3A_302, %dma_wait3A_310] : memref<2x4608xf32, #tpu.memory_space<vmem>> -> memref<1x4608xf32, #tpu.memory_space<vmem>>
          %dma_wait3A_312 = tpu.memref_squeeze %dma_wait3A_311 : memref<1x4608xf32, #tpu.memory_space<vmem>> -> memref<4608xf32, #tpu.memory_space<vmem>>
          tpu.wait_dma2 semaphore(%arg20 : memref<!tpu.dma_semaphore, #tpu.memory_space<semaphore_mem>>) src(%dma_wait3A_312 : memref<4608xf32, #tpu.memory_space<vmem>>) dst(%dma_wait3A_309 : memref<4608xf32, #tpu.memory_space<hbm>>)
        } else {
        }
        %parallel_loop3A_253 = arith.constant 0 : i32
        %parallel_loop3A_254 = arith.constant 288 : i32
        %parallel_loop3A_255 = arith.constant 1 : i32
        scf.for %parallel_loop3A_286 = %parallel_loop3A_253 to %parallel_loop3A_254 step %parallel_loop3A_255  : i32 {
          %parallel_loop3A_287 = arith.constant 16 : i32
          %parallel_loop3A_288 = arith.muli %parallel_loop3A_286, %parallel_loop3A_287 : i32
          %parallel_loop3A_289 = tpu.assume_multiple %parallel_loop3A_288, 16 : i32
          %parallel_loop3A_290 = arith.constant 1 : i32
          %parallel_loop3A_291 = arith.index_cast %parallel_loop3A_290 : i32 to index
          %parallel_loop3A_292 = arith.index_cast %parallel_loop3A_289 : i32 to index
          %parallel_loop3A_293 = tpu.vector_load %arg9[%parallel_loop3A_291, %parallel_loop3A_292] {strides = array<i32>} : memref<2x4608xf32, #tpu.memory_space<vmem>>, vector<16xf32>,
          %parallel_loop3A_294 = arith.constant 1 : i32
          %parallel_loop3A_295 = arith.index_cast %parallel_loop3A_294 : i32 to index
          %parallel_loop3A_296 = arith.index_cast %parallel_loop3A_289 : i32 to index
          %parallel_loop3A_297 = tpu.vector_load %arg10[%parallel_loop3A_295, %parallel_loop3A_296] {strides = array<i32>} : memref<2x4608xf32, #tpu.memory_space<vmem>>, vector<16xf32>,
          %parallel_loop3A_298 = arith.constant 1.920000e+02 : f32
          %parallel_loop3A_299 = vector.broadcast %parallel_loop3A_298 : f32 to vector<16xf32>
          %parallel_loop3A_300 = arith.mulf %parallel_loop3A_293, %parallel_loop3A_299 : vector<16xf32>
          %parallel_loop3A_301 = arith.constant 7.500000e+00 : f32
          %parallel_loop3A_302 = vector.broadcast %parallel_loop3A_301 : f32 to vector<16xf32>
          %parallel_loop3A_303 = arith.addf %parallel_loop3A_300, %parallel_loop3A_302 : vector<16xf32>
          %parallel_loop3A_304 = arith.constant 1.920000e+02 : f32
          %parallel_loop3A_305 = vector.broadcast %parallel_loop3A_304 : f32 to vector<16xf32>
          %parallel_loop3A_306 = arith.mulf %parallel_loop3A_297, %parallel_loop3A_305 : vector<16xf32>
          %parallel_loop3A_307 = arith.constant 5.000000e-01 : f32
          %parallel_loop3A_308 = vector.broadcast %parallel_loop3A_307 : f32 to vector<16xf32>
          %parallel_loop3A_309 = arith.addf %parallel_loop3A_306, %parallel_loop3A_308 : vector<16xf32>
          %parallel_loop3A_310 = arith.fptosi %parallel_loop3A_303 : vector<16xf32> to vector<16xi32>
          %parallel_loop3A_311 = arith.fptosi %parallel_loop3A_309 : vector<16xf32> to vector<16xi32>
          %parallel_loop3A_312 = arith.sitofp %parallel_loop3A_310 : vector<16xi32> to vector<16xf32>
          %parallel_loop3A_313 = arith.subf %parallel_loop3A_303, %parallel_loop3A_312 : vector<16xf32>
          %parallel_loop3A_314 = arith.sitofp %parallel_loop3A_311 : vector<16xi32> to vector<16xf32>
          %parallel_loop3A_315 = arith.subf %parallel_loop3A_309, %parallel_loop3A_314 : vector<16xf32>
          %parallel_loop3A_316 = arith.constant 1 : i32
          %parallel_loop3A_317 = vector.broadcast %parallel_loop3A_316 : i32 to vector<16xi32>
          %parallel_loop3A_318 = arith.addi %parallel_loop3A_310, %parallel_loop3A_317 : vector<16xi32>
          %parallel_loop3A_319 = arith.constant 1 : i32
          %parallel_loop3A_320 = vector.broadcast %parallel_loop3A_319 : i32 to vector<16xi32>
          %parallel_loop3A_321 = arith.addi %parallel_loop3A_311, %parallel_loop3A_320 : vector<16xi32>
          %parallel_loop3A_322 = arith.constant 1.000000e+00 : f32
          %parallel_loop3A_323 = vector.broadcast %parallel_loop3A_322 : f32 to vector<16xf32>
          %parallel_loop3A_324 = arith.subf %parallel_loop3A_323, %parallel_loop3A_313 : vector<16xf32>
          %parallel_loop3A_325 = arith.constant 1.000000e+00 : f32
          %parallel_loop3A_326 = vector.broadcast %parallel_loop3A_325 : f32 to vector<16xf32>
          %parallel_loop3A_327 = arith.subf %parallel_loop3A_326, %parallel_loop3A_315 : vector<16xf32>
          %parallel_loop3A_328 = tpu.vector_load_idx %arg7[%parallel_loop3A_311, %parallel_loop3A_310] : memref<194x201xf32, #tpu.memory_space<vmem>>[vector<16xi32>, vector<16xi32>], vector<16xf32>,
          %parallel_loop3A_329 = tpu.vector_load_idx %arg7[%parallel_loop3A_311, %parallel_loop3A_318] : memref<194x201xf32, #tpu.memory_space<vmem>>[vector<16xi32>, vector<16xi32>], vector<16xf32>,
          %parallel_loop3A_330 = tpu.vector_load_idx %arg7[%parallel_loop3A_321, %parallel_loop3A_310] : memref<194x201xf32, #tpu.memory_space<vmem>>[vector<16xi32>, vector<16xi32>], vector<16xf32>,
          %parallel_loop3A_331 = tpu.vector_load_idx %arg7[%parallel_loop3A_321, %parallel_loop3A_318] : memref<194x201xf32, #tpu.memory_space<vmem>>[vector<16xi32>, vector<16xi32>], vector<16xf32>,
          %parallel_loop3A_332 = arith.mulf %parallel_loop3A_328, %parallel_loop3A_324 : vector<16xf32>
          %parallel_loop3A_333 = arith.mulf %parallel_loop3A_329, %parallel_loop3A_313 : vector<16xf32>
          %parallel_loop3A_334 = arith.addf %parallel_loop3A_332, %parallel_loop3A_333 : vector<16xf32>
          %parallel_loop3A_335 = arith.mulf %parallel_loop3A_330, %parallel_loop3A_324 : vector<16xf32>
          %parallel_loop3A_336 = arith.mulf %parallel_loop3A_331, %parallel_loop3A_313 : vector<16xf32>
          %parallel_loop3A_337 = arith.addf %parallel_loop3A_335, %parallel_loop3A_336 : vector<16xf32>
          %parallel_loop3A_338 = arith.mulf %parallel_loop3A_334, %parallel_loop3A_327 : vector<16xf32>
          %parallel_loop3A_339 = arith.mulf %parallel_loop3A_337, %parallel_loop3A_315 : vector<16xf32>
          %parallel_loop3A_340 = arith.addf %parallel_loop3A_338, %parallel_loop3A_339 : vector<16xf32>
          %parallel_loop3A_341 = arith.constant 1 : i32
          %parallel_loop3A_342 = arith.index_cast %parallel_loop3A_341 : i32 to index
          %parallel_loop3A_343 = arith.index_cast %parallel_loop3A_289 : i32 to index
          %parallel_loop3A_344 = tpu.vector_load %arg11[%parallel_loop3A_342, %parallel_loop3A_343] {strides = array<i32>} : memref<2x4608xf32, #tpu.memory_space<vmem>>, vector<16xf32>,
          tpu.vector_store %arg11[%parallel_loop3A_342, %parallel_loop3A_343], %parallel_loop3A_340 {strides = array<i32>} : memref<2x4608xf32, #tpu.memory_space<vmem>>, vector<16xf32>,
          %parallel_loop3A_345 = tpu.vector_load_idx %arg8[%parallel_loop3A_311, %parallel_loop3A_310] : memref<194x201xf32, #tpu.memory_space<vmem>>[vector<16xi32>, vector<16xi32>], vector<16xf32>,
          %parallel_loop3A_346 = tpu.vector_load_idx %arg8[%parallel_loop3A_311, %parallel_loop3A_318] : memref<194x201xf32, #tpu.memory_space<vmem>>[vector<16xi32>, vector<16xi32>], vector<16xf32>,
          %parallel_loop3A_347 = tpu.vector_load_idx %arg8[%parallel_loop3A_321, %parallel_loop3A_310] : memref<194x201xf32, #tpu.memory_space<vmem>>[vector<16xi32>, vector<16xi32>], vector<16xf32>,
          %parallel_loop3A_348 = tpu.vector_load_idx %arg8[%parallel_loop3A_321, %parallel_loop3A_318] : memref<194x201xf32, #tpu.memory_space<vmem>>[vector<16xi32>, vector<16xi32>], vector<16xf32>,
          %parallel_loop3A_349 = arith.mulf %parallel_loop3A_345, %parallel_loop3A_324 : vector<16xf32>
          %parallel_loop3A_350 = arith.mulf %parallel_loop3A_346, %parallel_loop3A_313 : vector<16xf32>
          %parallel_loop3A_351 = arith.addf %parallel_loop3A_349, %parallel_loop3A_350 : vector<16xf32>
          %parallel_loop3A_352 = arith.mulf %parallel_loop3A_347, %parallel_loop3A_324 : vector<16xf32>
          %parallel_loop3A_353 = arith.mulf %parallel_loop3A_348, %parallel_loop3A_313 : vector<16xf32>
          %parallel_loop3A_354 = arith.addf %parallel_loop3A_352, %parallel_loop3A_353 : vector<16xf32>
          %parallel_loop3A_355 = arith.mulf %parallel_loop3A_351, %parallel_loop3A_327 : vector<16xf32>
          %parallel_loop3A_356 = arith.mulf %parallel_loop3A_354, %parallel_loop3A_315 : vector<16xf32>
          %parallel_loop3A_357 = arith.addf %parallel_loop3A_355, %parallel_loop3A_356 : vector<16xf32>
          %parallel_loop3A_358 = arith.constant 1 : i32
          %parallel_loop3A_359 = arith.index_cast %parallel_loop3A_358 : i32 to index
          %parallel_loop3A_360 = arith.index_cast %parallel_loop3A_289 : i32 to index
          %parallel_loop3A_361 = tpu.vector_load %arg12[%parallel_loop3A_359, %parallel_loop3A_360] {strides = array<i32>} : memref<2x4608xf32, #tpu.memory_space<vmem>>, vector<16xf32>,
          tpu.vector_store %arg12[%parallel_loop3A_359, %parallel_loop3A_360], %parallel_loop3A_357 {strides = array<i32>} : memref<2x4608xf32, #tpu.memory_space<vmem>>, vector<16xf32>,
        } {sc.loop_unroll_factor = 4 : i64, sc.parallel_access}
        %dma_start3A_256 = arith.constant 1 : i32
        %dma_start3A_257 = arith.constant 0 : i32
        %dma_start3A_258 = tpu.memref_slice %arg11[%dma_start3A_256, %dma_start3A_257] : memref<2x4608xf32, #tpu.memory_space<vmem>> -> memref<1x4608xf32, #tpu.memory_space<vmem>>
        %dma_start3A_259 = tpu.memref_squeeze %dma_start3A_258 : memref<1x4608xf32, #tpu.memory_space<vmem>> -> memref<4608xf32, #tpu.memory_space<vmem>>
        %dma_start3A_260 = tpu.memref_slice %arg6[%select_n3A, %add3A_43, %multiple_of3A_225] : memref<4x96x147456xf32, #tpu.memory_space<hbm>> -> memref<1x1x4608xf32, #tpu.memory_space<hbm>>
        %dma_start3A_261 = tpu.memref_squeeze %dma_start3A_260 : memref<1x1x4608xf32, #tpu.memory_space<hbm>> -> memref<4608xf32, #tpu.memory_space<hbm>>
        %dma_start3A_262 = tpu.memref_slice %arg6[%select_n3A, %add3A_43, %multiple_of3A_225] : memref<4x96x147456xf32, #tpu.memory_space<hbm>> -> memref<1x1x4608xf32, #tpu.memory_space<hbm>>
        %dma_start3A_263 = tpu.memref_squeeze %dma_start3A_262 : memref<1x1x4608xf32, #tpu.memory_space<hbm>> -> memref<4608xf32, #tpu.memory_space<hbm>>
        %dma_start3A_264 = arith.constant 0 : i32
        %dma_start3A_265 = tpu.memref_slice %arg11[%dma_start3A_256, %dma_start3A_264] : memref<2x4608xf32, #tpu.memory_space<vmem>> -> memref<1x4608xf32, #tpu.memory_space<vmem>>
        %dma_start3A_266 = tpu.memref_squeeze %dma_start3A_265 : memref<1x4608xf32, #tpu.memory_space<vmem>> -> memref<4608xf32, #tpu.memory_space<vmem>>
        tpu.enqueue_dma source(%dma_start3A_266 : memref<4608xf32, #tpu.memory_space<vmem>>) target(%dma_start3A_263 : memref<4608xf32, #tpu.memory_space<hbm>>) target_semaphore(%arg18 : memref<!tpu.dma_semaphore, #tpu.memory_space<semaphore_mem>>)
        %dma_start3A_267 = arith.constant 1 : i32
        %dma_start3A_268 = arith.constant 0 : i32
        %dma_start3A_269 = tpu.memref_slice %arg12[%dma_start3A_267, %dma_start3A_268] : memref<2x4608xf32, #tpu.memory_space<vmem>> -> memref<1x4608xf32, #tpu.memory_space<vmem>>
        %dma_start3A_270 = tpu.memref_squeeze %dma_start3A_269 : memref<1x4608xf32, #tpu.memory_space<vmem>> -> memref<4608xf32, #tpu.memory_space<vmem>>
        %dma_start3A_271 = tpu.memref_slice %arg6[%select_n3A, %add3A_45, %multiple_of3A_225] : memref<4x96x147456xf32, #tpu.memory_space<hbm>> -> memref<1x1x4608xf32, #tpu.memory_space<hbm>>
        %dma_start3A_272 = tpu.memref_squeeze %dma_start3A_271 : memref<1x1x4608xf32, #tpu.memory_space<hbm>> -> memref<4608xf32, #tpu.memory_space<hbm>>
        %dma_start3A_273 = tpu.memref_slice %arg6[%select_n3A, %add3A_45, %multiple_of3A_225] : memref<4x96x147456xf32, #tpu.memory_space<hbm>> -> memref<1x1x4608xf32, #tpu.memory_space<hbm>>
        %dma_start3A_274 = tpu.memref_squeeze %dma_start3A_273 : memref<1x1x4608xf32, #tpu.memory_space<hbm>> -> memref<4608xf32, #tpu.memory_space<hbm>>
        %dma_start3A_275 = arith.constant 0 : i32
        %dma_start3A_276 = tpu.memref_slice %arg12[%dma_start3A_267, %dma_start3A_275] : memref<2x4608xf32, #tpu.memory_space<vmem>> -> memref<1x4608xf32, #tpu.memory_space<vmem>>
        %dma_start3A_277 = tpu.memref_squeeze %dma_start3A_276 : memref<1x4608xf32, #tpu.memory_space<vmem>> -> memref<4608xf32, #tpu.memory_space<vmem>>
        tpu.enqueue_dma source(%dma_start3A_277 : memref<4608xf32, #tpu.memory_space<vmem>>) target(%dma_start3A_274 : memref<4608xf32, #tpu.memory_space<hbm>>) target_semaphore(%arg20 : memref<!tpu.dma_semaphore, #tpu.memory_space<semaphore_mem>>)
        %add3A_278 = arith.constant 2 : i32
        %add3A_279 = arith.addi %add3A_222, %add3A_278 : i32
        %lt3A_280 = arith.constant 32 : i32
        %lt3A_281 = arith.cmpi slt, %add3A_279, %lt3A_280 : i32
        %convert_element_type3A_282 = arith.extui %lt3A_281 : i1 to i32
        %cond3A_283 = arith.constant 0 : i32
        %cond3A_284 = arith.cmpi ne, %convert_element_type3A_282, %cond3A_283 : i32
        scf.if %cond3A_284 {
          %add3A_286 = arith.constant 2 : i32
          %add3A_287 = arith.addi %add3A_222, %add3A_286 : i32
          %mul3A_288 = arith.constant 4608 : i32
          %mul3A_289 = arith.muli %add3A_287, %mul3A_288 : i32
          %multiple_of3A_290 = tpu.assume_multiple %mul3A_289, 4608 : i32
          %dma_start3A_291 = arith.constant 1 : i32
          %dma_start3A_292 = arith.constant 0 : i32
          %dma_start3A_293 = tpu.memref_slice %arg9[%dma_start3A_291, %dma_start3A_292] : memref<2x4608xf32, #tpu.memory_space<vmem>> -> memref<1x4608xf32, #tpu.memory_space<vmem>>
          %dma_start3A_294 = tpu.memref_squeeze %dma_start3A_293 : memref<1x4608xf32, #tpu.memory_space<vmem>> -> memref<4608xf32, #tpu.memory_space<vmem>>
          %dma_start3A_295 = tpu.memref_slice %arg2[%select_n3A, %multiple_of3A_290] : memref<4x147456xf32, #tpu.memory_space<hbm>> -> memref<1x4608xf32, #tpu.memory_space<hbm>>
          %dma_start3A_296 = tpu.memref_squeeze %dma_start3A_295 : memref<1x4608xf32, #tpu.memory_space<hbm>> -> memref<4608xf32, #tpu.memory_space<hbm>>
          %dma_start3A_297 = arith.constant 0 : i32
          %dma_start3A_298 = tpu.memref_slice %arg9[%dma_start3A_291, %dma_start3A_297] : memref<2x4608xf32, #tpu.memory_space<vmem>> -> memref<1x4608xf32, #tpu.memory_space<vmem>>
          %dma_start3A_299 = tpu.memref_squeeze %dma_start3A_298 : memref<1x4608xf32, #tpu.memory_space<vmem>> -> memref<4608xf32, #tpu.memory_space<vmem>>
          %dma_start3A_300 = tpu.memref_slice %arg2[%select_n3A, %multiple_of3A_290] : memref<4x147456xf32, #tpu.memory_space<hbm>> -> memref<1x4608xf32, #tpu.memory_space<hbm>>
          %dma_start3A_301 = tpu.memref_squeeze %dma_start3A_300 : memref<1x4608xf32, #tpu.memory_space<hbm>> -> memref<4608xf32, #tpu.memory_space<hbm>>
          tpu.enqueue_dma source(%dma_start3A_301 : memref<4608xf32, #tpu.memory_space<hbm>>) target(%dma_start3A_299 : memref<4608xf32, #tpu.memory_space<vmem>>) target_semaphore(%arg14 : memref<!tpu.dma_semaphore, #tpu.memory_space<semaphore_mem>>)
          %dma_start3A_302 = arith.constant 1 : i32
          %dma_start3A_303 = arith.constant 0 : i32
          %dma_start3A_304 = tpu.memref_slice %arg10[%dma_start3A_302, %dma_start3A_303] : memref<2x4608xf32, #tpu.memory_space<vmem>> -> memref<1x4608xf32, #tpu.memory_space<vmem>>
          %dma_start3A_305 = tpu.memref_squeeze %dma_start3A_304 : memref<1x4608xf32, #tpu.memory_space<vmem>> -> memref<4608xf32, #tpu.memory_space<vmem>>
          %dma_start3A_306 = tpu.memref_slice %arg3[%select_n3A, %multiple_of3A_290] : memref<4x147456xf32, #tpu.memory_space<hbm>> -> memref<1x4608xf32, #tpu.memory_space<hbm>>
          %dma_start3A_307 = tpu.memref_squeeze %dma_start3A_306 : memref<1x4608xf32, #tpu.memory_space<hbm>> -> memref<4608xf32, #tpu.memory_space<hbm>>
          %dma_start3A_308 = arith.constant 0 : i32
          %dma_start3A_309 = tpu.memref_slice %arg10[%dma_start3A_302, %dma_start3A_308] : memref<2x4608xf32, #tpu.memory_space<vmem>> -> memref<1x4608xf32, #tpu.memory_space<vmem>>
          %dma_start3A_310 = tpu.memref_squeeze %dma_start3A_309 : memref<1x4608xf32, #tpu.memory_space<vmem>> -> memref<4608xf32, #tpu.memory_space<vmem>>
          %dma_start3A_311 = tpu.memref_slice %arg3[%select_n3A, %multiple_of3A_290] : memref<4x147456xf32, #tpu.memory_space<hbm>> -> memref<1x4608xf32, #tpu.memory_space<hbm>>
          %dma_start3A_312 = tpu.memref_squeeze %dma_start3A_311 : memref<1x4608xf32, #tpu.memory_space<hbm>> -> memref<4608xf32, #tpu.memory_space<hbm>>
          tpu.enqueue_dma source(%dma_start3A_312 : memref<4608xf32, #tpu.memory_space<hbm>>) target(%dma_start3A_310 : memref<4608xf32, #tpu.memory_space<vmem>>) target_semaphore(%arg16 : memref<!tpu.dma_semaphore, #tpu.memory_space<semaphore_mem>>)
        } else {
        }
        %scan3A_285 = arith.constant 0 : i32
        scf.yield %scan3A_285 : i32
      }
      %scan3A_103 = arith.constant 16 : i32
      %dma_wait3A = arith.constant 0 : i32
      %dma_wait3A_104 = arith.constant 0 : i32
      %dma_wait3A_105 = tpu.memref_slice %arg11[%dma_wait3A, %dma_wait3A_104] : memref<2x4608xf32, #tpu.memory_space<vmem>> -> memref<1x4608xf32, #tpu.memory_space<vmem>>
      %dma_wait3A_106 = tpu.memref_squeeze %dma_wait3A_105 : memref<1x4608xf32, #tpu.memory_space<vmem>> -> memref<4608xf32, #tpu.memory_space<vmem>>
      %dma_wait3A_107 = arith.constant 138240 : i32
      %dma_wait3A_108 = tpu.memref_slice %arg6[%select_n3A, %add3A_43, %dma_wait3A_107] : memref<4x96x147456xf32, #tpu.memory_space<hbm>> -> memref<1x1x4608xf32, #tpu.memory_space<hbm>>
      %dma_wait3A_109 = tpu.memref_squeeze %dma_wait3A_108 : memref<1x1x4608xf32, #tpu.memory_space<hbm>> -> memref<4608xf32, #tpu.memory_space<hbm>>
      %dma_wait3A_110 = arith.constant 138240 : i32
      %dma_wait3A_111 = tpu.memref_slice %arg6[%select_n3A, %add3A_43, %dma_wait3A_110] : memref<4x96x147456xf32, #tpu.memory_space<hbm>> -> memref<1x1x4608xf32, #tpu.memory_space<hbm>>
      %dma_wait3A_112 = tpu.memref_squeeze %dma_wait3A_111 : memref<1x1x4608xf32, #tpu.memory_space<hbm>> -> memref<4608xf32, #tpu.memory_space<hbm>>
      %dma_wait3A_113 = arith.constant 0 : i32
      %dma_wait3A_114 = tpu.memref_slice %arg11[%dma_wait3A, %dma_wait3A_113] : memref<2x4608xf32, #tpu.memory_space<vmem>> -> memref<1x4608xf32, #tpu.memory_space<vmem>>
      %dma_wait3A_115 = tpu.memref_squeeze %dma_wait3A_114 : memref<1x4608xf32, #tpu.memory_space<vmem>> -> memref<4608xf32, #tpu.memory_space<vmem>>
      tpu.wait_dma2 semaphore(%arg17 : memref<!tpu.dma_semaphore, #tpu.memory_space<semaphore_mem>>) src(%dma_wait3A_115 : memref<4608xf32, #tpu.memory_space<vmem>>) dst(%dma_wait3A_112 : memref<4608xf32, #tpu.memory_space<hbm>>)
      %dma_wait3A_116 = arith.constant 0 : i32
      %dma_wait3A_117 = arith.constant 0 : i32
      %dma_wait3A_118 = tpu.memref_slice %arg12[%dma_wait3A_116, %dma_wait3A_117] : memref<2x4608xf32, #tpu.memory_space<vmem>> -> memref<1x4608xf32, #tpu.memory_space<vmem>>
      %dma_wait3A_119 = tpu.memref_squeeze %dma_wait3A_118 : memref<1x4608xf32, #tpu.memory_space<vmem>> -> memref<4608xf32, #tpu.memory_space<vmem>>
      %dma_wait3A_120 = arith.constant 138240 : i32
      %dma_wait3A_121 = tpu.memref_slice %arg6[%select_n3A, %add3A_45, %dma_wait3A_120] : memref<4x96x147456xf32, #tpu.memory_space<hbm>> -> memref<1x1x4608xf32, #tpu.memory_space<hbm>>
      %dma_wait3A_122 = tpu.memref_squeeze %dma_wait3A_121 : memref<1x1x4608xf32, #tpu.memory_space<hbm>> -> memref<4608xf32, #tpu.memory_space<hbm>>
      %dma_wait3A_123 = arith.constant 138240 : i32
      %dma_wait3A_124 = tpu.memref_slice %arg6[%select_n3A, %add3A_45, %dma_wait3A_123] : memref<4x96x147456xf32, #tpu.memory_space<hbm>> -> memref<1x1x4608xf32, #tpu.memory_space<hbm>>
      %dma_wait3A_125 = tpu.memref_squeeze %dma_wait3A_124 : memref<1x1x4608xf32, #tpu.memory_space<hbm>> -> memref<4608xf32, #tpu.memory_space<hbm>>
      %dma_wait3A_126 = arith.constant 0 : i32
      %dma_wait3A_127 = tpu.memref_slice %arg12[%dma_wait3A_116, %dma_wait3A_126] : memref<2x4608xf32, #tpu.memory_space<vmem>> -> memref<1x4608xf32, #tpu.memory_space<vmem>>
      %dma_wait3A_128 = tpu.memref_squeeze %dma_wait3A_127 : memref<1x4608xf32, #tpu.memory_space<vmem>> -> memref<4608xf32, #tpu.memory_space<vmem>>
      tpu.wait_dma2 semaphore(%arg19 : memref<!tpu.dma_semaphore, #tpu.memory_space<semaphore_mem>>) src(%dma_wait3A_128 : memref<4608xf32, #tpu.memory_space<vmem>>) dst(%dma_wait3A_125 : memref<4608xf32, #tpu.memory_space<hbm>>)
      %dma_wait3A_129 = arith.constant 1 : i32
      %dma_wait3A_130 = arith.constant 0 : i32
      %dma_wait3A_131 = tpu.memref_slice %arg11[%dma_wait3A_129, %dma_wait3A_130] : memref<2x4608xf32, #tpu.memory_space<vmem>> -> memref<1x4608xf32, #tpu.memory_space<vmem>>
      %dma_wait3A_132 = tpu.memref_squeeze %dma_wait3A_131 : memref<1x4608xf32, #tpu.memory_space<vmem>> -> memref<4608xf32, #tpu.memory_space<vmem>>
      %dma_wait3A_133 = arith.constant 142848 : i32
      %dma_wait3A_134 = tpu.memref_slice %arg6[%select_n3A, %add3A_43, %dma_wait3A_133] : memref<4x96x147456xf32, #tpu.memory_space<hbm>> -> memref<1x1x4608xf32, #tpu.memory_space<hbm>>
      %dma_wait3A_135 = tpu.memref_squeeze %dma_wait3A_134 : memref<1x1x4608xf32, #tpu.memory_space<hbm>> -> memref<4608xf32, #tpu.memory_space<hbm>>
      %dma_wait3A_136 = arith.constant 142848 : i32
      %dma_wait3A_137 = tpu.memref_slice %arg6[%select_n3A, %add3A_43, %dma_wait3A_136] : memref<4x96x147456xf32, #tpu.memory_space<hbm>> -> memref<1x1x4608xf32, #tpu.memory_space<hbm>>
      %dma_wait3A_138 = tpu.memref_squeeze %dma_wait3A_137 : memref<1x1x4608xf32, #tpu.memory_space<hbm>> -> memref<4608xf32, #tpu.memory_space<hbm>>
      %dma_wait3A_139 = arith.constant 0 : i32
      %dma_wait3A_140 = tpu.memref_slice %arg11[%dma_wait3A_129, %dma_wait3A_139] : memref<2x4608xf32, #tpu.memory_space<vmem>> -> memref<1x4608xf32, #tpu.memory_space<vmem>>
      %dma_wait3A_141 = tpu.memref_squeeze %dma_wait3A_140 : memref<1x4608xf32, #tpu.memory_space<vmem>> -> memref<4608xf32, #tpu.memory_space<vmem>>
      tpu.wait_dma2 semaphore(%arg18 : memref<!tpu.dma_semaphore, #tpu.memory_space<semaphore_mem>>) src(%dma_wait3A_141 : memref<4608xf32, #tpu.memory_space<vmem>>) dst(%dma_wait3A_138 : memref<4608xf32, #tpu.memory_space<hbm>>)
      %dma_wait3A_142 = arith.constant 1 : i32
      %dma_wait3A_143 = arith.constant 0 : i32
      %dma_wait3A_144 = tpu.memref_slice %arg12[%dma_wait3A_142, %dma_wait3A_143] : memref<2x4608xf32, #tpu.memory_space<vmem>> -> memref<1x4608xf32, #tpu.memory_space<vmem>>
      %dma_wait3A_145 = tpu.memref_squeeze %dma_wait3A_144 : memref<1x4608xf32, #tpu.memory_space<vmem>> -> memref<4608xf32, #tpu.memory_space<vmem>>
      %dma_wait3A_146 = arith.constant 142848 : i32
      %dma_wait3A_147 = tpu.memref_slice %arg6[%select_n3A, %add3A_45, %dma_wait3A_146] : memref<4x96x147456xf32, #tpu.memory_space<hbm>> -> memref<1x1x4608xf32, #tpu.memory_space<hbm>>
      %dma_wait3A_148 = tpu.memref_squeeze %dma_wait3A_147 : memref<1x1x4608xf32, #tpu.memory_space<hbm>> -> memref<4608xf32, #tpu.memory_space<hbm>>
      %dma_wait3A_149 = arith.constant 142848 : i32
      %dma_wait3A_150 = tpu.memref_slice %arg6[%select_n3A, %add3A_45, %dma_wait3A_149] : memref<4x96x147456xf32, #tpu.memory_space<hbm>> -> memref<1x1x4608xf32, #tpu.memory_space<hbm>>
      %dma_wait3A_151 = tpu.memref_squeeze %dma_wait3A_150 : memref<1x1x4608xf32, #tpu.memory_space<hbm>> -> memref<4608xf32, #tpu.memory_space<hbm>>
      %dma_wait3A_152 = arith.constant 0 : i32
      %dma_wait3A_153 = tpu.memref_slice %arg12[%dma_wait3A_142, %dma_wait3A_152] : memref<2x4608xf32, #tpu.memory_space<vmem>> -> memref<1x4608xf32, #tpu.memory_space<vmem>>
      %dma_wait3A_154 = tpu.memref_squeeze %dma_wait3A_153 : memref<1x4608xf32, #tpu.memory_space<vmem>> -> memref<4608xf32, #tpu.memory_space<vmem>>
      tpu.wait_dma2 semaphore(%arg20 : memref<!tpu.dma_semaphore, #tpu.memory_space<semaphore_mem>>) src(%dma_wait3A_154 : memref<4608xf32, #tpu.memory_space<vmem>>) dst(%dma_wait3A_151 : memref<4608xf32, #tpu.memory_space<hbm>>)
      %scan3A_155 = arith.constant 0 : i32
      scf.yield %scan3A_155 : i32
    }
    %scan3A_38 = arith.constant 6 : i32
    return
  }
}

</mosaic_0001>

<sc_bundles>
// kernel: kernel.3.cloned.1.call-start
scs
__scs_entry_jumppad:
0x0: {  	(pc) =	sbr.rel $0x88, $3  }
0x1: {  	(tag) =	ssettag $0x0;
	lr =	simm.s32 $0x1  }
0x2: {  	[smem:$0x3F9F] =	sst lr;
	_ =	strace $0xD0000000  }
0x3: {  	_ = 	snop  }
0x4: {  	_ = 	snop  }
0x5: {  	_ = 	snop  }
0x6: {  	_ = 	snop  }
0x7: {  	_ = 	snop  }
__scs_overlays_trampoline_lowered:
0x8: {  	[smem:$0x3FAE] =	sst s0  }
0x9: {  	[smem:$0x3FAF] =	sst s1  }
0xa: {  	[smem:$0x3FB0] =	sst s2  }
0xb: {  	[smem:$0x3FB1] =	sst s3  }
0xc: {  	[smem:$0x3FB2] =	sst s4  }
0xd: {  	[smem:$0x3FB3] =	sst s5  }
0xe: {  	[smem:$0x3FB4] =	sst s6  }
0xf: {  	[smem:$0x3FB5] =	sst s7  }
0x10: {  	[smem:$0x3FB6] =	sst s8  }
0x11: {  	[smem:$0x3FB7] =	sst s9;
	s0 =	simm.s32 @!p0 $0x0  }
0x12: {  	s1 =	sld [smem:$0x3F9D];
	s0 =	simm.s32 @p0 $0x1  }
0x13: {  	[smem:$0x3FB8] =	sst s0;
	s0 =	simm.s32 @!p1 $0x0  }
0x14: {  	s2 =	sld [smem:$0x3F9C];
	s0 =	simm.s32 @p1 $0x1  }
0x15: {  	[smem:$0x3FB9] =	sst s0;
	s0 =	simm.s32 @!p2 $0x0  }
0x16: {  	s3 =	sld [smem:$0x3FDB];
	s0 =	simm.s32 @p2 $0x1  }
0x17: {  	s4 =	simm.s32 $0x1BF5;
	[smem:$0x3FBB] =	sst s0  }
0x18: {  	s0 =	sld [smem:$0x3F9E];
	_ =	swait.ge [sflag:s4], $0x0  }
0x19: {  	s7 =	sld [smem:$0x3F9F]  }
0x1a: {  	s8 =	sadd.s32 $0xFFFFE003, lr  }
0x1b: {  	s9 =	sadd.s32 $0xFFFFFEF7, lr;
	s5 =	simm.s32 $0xFFFFFFFF;
	p2 =	slt.u32 s8, $0xFFFFF086  }
0x1c: {  	p1 =	slt.u32 s9, $0xF7A;
	s5 =	simm.s32 @!p2 $0x0  }
0x1d: {  	s5 =	simm.s32 @p1 $0x1;
	p0 =	seq.s32 s7, s2  }
0x1e: {  	s7 =	smul.u32 @!p0 $0xF7A, s2;
	p2 =	seq.s32 @!p0 s5, $0x0  }
0x1f: {  	s9 =	smul.u32 $0xF7A, s1;
	s8 =	simm.s32 @!p0 $0x1BF5;
	p2 =	por !p2, p0  }
0x20: {  	[sflag:s8] =	ssyncset.s32 @!p0 $0xFFFFF086;
	s6 =	sadd.s32 @!p0 s3, s7;
	s7 =	simm.s32 @!p0 $0x108  }
0x21: {  	s3 =	sadd.s32 s3, s9;
	s6 =	sadd.s32 @!p0 $0x88, s6;
	s7 =	simm.s32 @p2 $0x1082  }
0x22: {  	[simem:s7], [sflag:s8] =	dma.local @!p0 [hbm:s6], $0xF7A  }
0x23: {  	s9 =	sor.u32 $0xD0000000, s2;
	s6 =	simm.s32 $0x108;
	_ =	swait.ge @!p0 [sflag:s8], $0x0  }
0x24: {  	s3 =	sadd.s32 $0x88, s3;
	s6 =	simm.s32 @!p1 $0x1082;
	[sflag:s4] =	ssyncset.s32 $0xFFFFF086  }
0x25: {  	[simem:s6], [sflag:s4] =	dma.local [hbm:s3], $0xF7A  }
0x26: {  	[smem:$0x3F9F] =	sst s1;
	(tag) =	ssettag s2;
	_ =	strace s9  }
0x27: {  	s1 =	sld [smem:$0x3FAF]  }
0x28: {  	s2 =	sld [smem:$0x3FB0]  }
0x29: {  	s4 =	sld [smem:$0x3FB2]  }
0x2a: {  	p0 =	seq.s32 s5, $0x0;
	s5 =	sld [smem:$0x3FB3]  }
0x2b: {  	s6 =	sld [smem:$0x3FB4]  }
0x2c: {  	s7 =	sld [smem:$0x3FB5]  }
0x2d: {  	s3 =	simm.s32 $0x108;
	s8 =	sld [smem:$0x3FB6]  }
0x2e: {  	s3 =	simm.s32 @!p0 $0x1082;
	s9 =	sld [smem:$0x3FB7]  }
0x2f: {  	lr =	sadd.s32 s0, s3;
	s0 =	sld [smem:$0x3FAE]  }
0x30: {  	s3 =	sld [smem:$0x3FB1]  }
0x31: {  	[smem:$0x3FBA] =	sst s10  }
0x32: {  	s10 =	sld [smem:$0x3FB8];
	_ =	sdelay $0x3  }
0x33: {  	p0 =	seq.s32 s10, $0x1;
	s10 =	sld [smem:$0x3FBA];
	_ =	sdelay $0x3  }
0x34: {  	[smem:$0x3FBA] =	sst s10  }
0x35: {  	s10 =	sld [smem:$0x3FB9];
	_ =	sdelay $0x3  }
0x36: {  	p1 =	seq.s32 s10, $0x1;
	s10 =	sld [smem:$0x3FBA];
	_ =	sdelay $0x3  }
0x37: {  	[smem:$0x3FBA] =	sst s10  }
0x38: {  	s10 =	sld [smem:$0x3FBB]  }
0x39: {  	_ = 	snop;
	(pc) =	sbr.ind lr, $3  }
0x3a: {  	_ = 	snop  }
0x3b: {  	_ = 	snop  }
0x3c: {  	p2 =	seq.s32 s10, $0x1;
	s10 =	sld [smem:$0x3FBA]  }
0x3d: {  	_ =	shalt  }
0x3e: {  	_ =	shalt  }
0x3f: {  	_ =	shalt  }
0x40: {  	_ =	shalt  }
0x41: {  	_ =	shalt  }
0x42: {  	_ =	shalt  }
0x43: {  	_ =	shalt  }
0x44: {  	_ =	shalt  }
0x45: {  	_ =	shalt  }
0x46: {  	_ =	shalt  }
0x47: {  	_ =	shalt  }
0x48: {  	_ =	shalt  }
0x49: {  	_ =	shalt  }
0x4a: {  	_ =	shalt  }
0x4b: {  	_ =	shalt  }
0x4c: {  	_ =	shalt  }
0x4d: {  	_ =	shalt  }
0x4e: {  	_ =	shalt  }
0x4f: {  	_ =	shalt  }
0x50: {  	_ =	shalt  }
0x51: {  	_ =	shalt  }
0x52: {  	_ =	shalt  }
0x53: {  	_ =	shalt  }
0x54: {  	_ =	shalt  }
0x55: {  	_ =	shalt  }
0x56: {  	_ =	shalt  }
0x57: {  	_ =	shalt  }
0x58: {  	_ =	shalt  }
0x59: {  	_ =	shalt  }
0x5a: {  	_ =	shalt  }
0x5b: {  	_ =	shalt  }
0x5c: {  	_ =	shalt  }
0x5d: {  	_ =	shalt  }
0x5e: {  	_ =	shalt  }
0x5f: {  	_ =	shalt  }
0x60: {  	_ =	shalt  }
0x61: {  	_ =	shalt  }
0x62: {  	_ =	shalt  }
0x63: {  	_ =	shalt  }
0x64: {  	_ =	shalt  }
0x65: {  	_ =	shalt  }
0x66: {  	_ =	shalt  }
0x67: {  	_ =	shalt  }
0x68: {  	_ =	shalt  }
0x69: {  	_ =	shalt  }
0x6a: {  	_ =	shalt  }
0x6b: {  	_ =	shalt  }
0x6c: {  	_ =	shalt  }
0x6d: {  	_ =	shalt  }
0x6e: {  	_ =	shalt  }
0x6f: {  	_ =	shalt  }
0x70: {  	_ =	shalt  }
0x71: {  	_ =	shalt  }
0x72: {  	_ =	shalt  }
0x73: {  	_ =	shalt  }
0x74: {  	_ =	shalt  }
0x75: {  	_ =	shalt  }
0x76: {  	_ =	shalt  }
0x77: {  	_ =	shalt  }
0x78: {  	_ =	shalt  }
0x79: {  	_ =	shalt  }
0x7a: {  	_ =	shalt  }
0x7b: {  	_ =	shalt  }
0x7c: {  	_ =	shalt  }
0x7d: {  	_ =	shalt  }
0x7e: {  	_ =	shalt  }
0x7f: {  	_ =	shalt  }
0x80: {  	_ =	shalt  }
0x81: {  	_ =	shalt  }
0x82: {  	_ =	shalt  }
0x83: {  	_ =	shalt  }
0x84: {  	_ =	shalt  }
0x85: {  	_ =	shalt  }
0x86: {  	_ =	shalt  }
0x87: {  	_ =	shalt  }
.Lfunc_end0:
.L_simem_size_0:
called_computation_lowered:
.L_overlay_start_0:
0x88: {  	s2 =	sld [smem:$0x3FD9]  }
0x89: {  	s3 =	sld [smem:$0x3FFE];
	_ =	sdelay $0x1  }
0x8a: {  	s1 =	srdreg.scid  }
0x8b: {  	s0 =	sand.u32 $0x1, s1  }
0x8c: {  	s17 =	sshll.u32 s0, $0xA;
	s2 =	sadd.s32 s3, s2  }
0x8d: {  	s2 =	sadd.s32 s2, s17  }
0x8e: {  	[smem:$0x3FC6] =	sst s2  }
0x8f: {  	_ = 	snop  }
0x90: {  	s2 =	sld [smem:$0x3FD0];
	(tm) =	ssettm $0x1  }
0x91: {  	s18 =	sld [smem:$0x3FFB];
	_ =	sdelay $0x3  }
0x92: {  	_ =	strace s18  }
0x93: {  	s3 =	sld [smem:$0x3FFC];
	_ =	sdelay $0x3  }
0x94: {  	_ =	strace s3  }
0x95: {  	s3 =	sld [smem:$0x3FFD];
	_ =	sdelay $0x3  }
0x96: {  	_ =	strace s3  }
0x97: {  	_ =	strace $0x8FFFFFFF  }
0x98: {  	s19 =	sld [smem:$0x3FDB];
	_ =	sdelay $0x1  }
0x99: {  	s4 =	simm.s32 $_scs_section_size  }
0x9a: {  	s5 =	simm.s32 $_size__tile_overlayer_lowered;
	s6 =	simm.s32 $_tile_overlayer_lowered  }
0x9b: {  	s22 =	simm.s32 $0x1BFF;
	s21 =	sshll.u32 s6, $0x1;
	s3 =	sadd.s32 s4, s19  }
0x9c: {  	s7 =	simm.s32 $0x0;
	s20 =	sshll.u32 s5, $0x1;
	s5 =	sadd.s32 s21, s3  }
0x9d: {  	[timem:s7], [sflag:s22] =	dma.local [hbm:s5], s20  }
0x9e: {  	_ =	swait.ge [sflag:s22], s20  }
0x9f: {  	s4 =	ssub.s32 $0x0, s20;
	[sflag:s22] =	ssyncset.done $0x0  }
0xa0: {  	[sflag:s22] =	ssyncadd.s32 s4;
	_ =	sdelay $0x1  }
0xa1: {  	s23 =	simm.s32 $0x1B8B  }
0xa2: {  	_ =	swait.ge [sflag:s23], $0x1  }
0xa3: {  	[sflag:s23] =	ssyncset.done $0x0  }
0xa4: {  	s25 =	simm.s32 $0x1B8E;
	s24 =	sld [smem:$0x3FFE];
	[sflag:s23] =	ssyncadd.s32 $0xFFFFFFFF  }
0xa5: {  	s26 =	simm.s32 $execute0_lowered;
	[smem:$0x3FD2] =	sst s25  }
0xa6: {  	s5 =	sshll.u32 s26, $0x1;
	_ =	strace $0x80000046;
	[dreg:$0x1] =	wrdreg $0xFFFFFFFF  }
0xa7: {  	s28 =	simm.s32 $_size_execute0_lowered;
	s3 =	sadd.s32 s3, s5;
	[dreg:$0x0] =	wrdreg $0x0  }
0xa8: {  	s5 =	sshll.u32 s28, $0x1;
	[dreg:$0x2] =	wrdreg s3  }
0xa9: {  	[dreg:$0x3] =	wrdreg s5  }
0xaa: {  	[dreg:$0x4] =	wrdreg $0xC0  }
0xab: {  	_ =	task [dreg:s7], $0x5FFFF  }
0xac: {  	[dreg:$0x1] =	wrdreg $0xFFFFFFFF  }
0xad: {  	[dreg:$0x0] =	wrdreg $0x60  }
0xae: {  	[dreg:$0x2] =	wrdreg s24  }
0xaf: {  	[dreg:$0x3] =	wrdreg s2  }
0xb0: {  	[dreg:$0x4] =	wrdreg $0x9  }
0xb1: {  	_ =	task.clear_ibuf [dreg:s7], $0x5FFFF;
	_ =	strace $0x90000046  }
0xb2: {  	s29 =	simm.s32 $0x9;
	_ =	strace $0x80000048  }
0xb3: {  	_ =	swait.ge [sflag:s29], $0x1  }
0xb4: {  	[sflag:s29] =	ssyncadd.s32 $0xFFFFFFFF  }
0xb5: {  	_ =	strace $0x90000048  }
0xb6: {  	_ =	sfence  }
0xb7: {  	s30 =	sld [smem:$0x0];
	_ =	sdelay $0x2  }
0xb8: {  	s31 =	sshll.u32 s1, $0xD;
	s1 =	sshrl.u32 s1, $0x2  }
0xb9: {  	s3 =	sand.u32 $0x4000, s31;
	s1 =	sadd.s32 s1, s30  }
0xba: {  	s0 =	sor.u32 s3, s0;
	s1 =	sshll.u32 s1, $0x11  }
0xbb: {  	s0 =	sor.u32 s1, s0  }
0xbc: {  	s0 =	sadd.s32 $0x8F2B, s0  }
0xbd: {  	[sflag:s0] =	ssyncadd.remote.s32 $0x1  }
0xbe: {  	_ =	sfence.sel $0xFFFF  }
0xbf: {  	[dreg:$0x0] =	wrdreg $0xFFFFFFFF;
	(pc) =	sbr.abs _section_cstart, $3  }
0xc0: {  	[dreg:$0x1] =	wrdreg $0xFFFFFFFF  }
0xc1: {  	_ =	task.clear_ibuf [dreg:s7], $0x2FFFF;
	_ =	strace $0x9FFFFFFF  }
0xc2: {  	(tm) =	ssettm $0x7FFFFFFF  }
0xc3: {  	_ =	shalt  }
tec
execute0_lowered:
.L_overlay_start_1:
0x0: {  	(tag) =	ssettag $0x1  }
0x1: {  	s0 =	srdreg.scid;
	s1 =	rddreg [dreg:$0x0]  }
0x2: {  	s6 =	stileid.u32;
	s12 =	rddreg [dreg:$0x1];
	s3 =	simm.s32 $0x0  }
0x3: {  	s18 =	simm.s32 $0x9;
	s19 =	simm.s32 $0x9DA0;
	s28 =	simm.s32 $0x1A740  }
0x4: {  	s29 =	simm.s32 $0x2;
	s30 =	simm.s32 $0x4;
	s31 =	simm.s32 $0x19540  }
0x5: {  	s0 =	sand.u32 $0x1, s0;
	s2 =	sshll.u32 s6, $0x1;
	s6 =	sshrl.u32 s6, $0x2  }
0x6: {  	[smem:$0x7FF] =	sst s3;
	s7 =	sadd.s32 $0x600, s1;
	s9 =	smul.u32 $0x24000, s6  }
0x7: {  	s2 =	sor.u32 s0, s2;
	_ =	strace $0x80000047;
	s6 =	smul.u32 $0xD80000, s6  }
0x8: {  	s0 =	ssub.s32 $0x2, s0;
	[dreg:$0x3] =	wrdreg s7;
	s4 =	smul.u32 $0x2004, s2  }
0x9: {  	s7 =	sadd.s32 $0x25A00, s1;
	s2 =	smul.u32 $0xC, s2;
	s20 =	sshrl.u32 s0, $0x1  }
0xa: {  	s0 =	ssub.s32 s0, s20;
	s22 =	sshrl.u32 s9, $0x3;
	[dreg:$0x5] =	wrdreg s6  }
0xb: {  	s26 =	sor.u32 $0x24000, s6;
	s16 =	sor.u32 $0x2400, s9;
	s17 =	sor.u32 $0x3600, s9  }
0xc: {  	s5 =	sshrl.u32 s4, $0x10;
	s4 =	sadd.s32 $0x13A00, s1;
	s23 =	sor.u32 $0x240, s22  }
0xd: {  	[dreg:$0xa] =	wrdreg s26;
	s0 =	smax.u32 s0, $0x1;
	s26 =	simm.s32 $0x18340  }
0xe: {  	s8 =	smul.u32 $0x60, s5;
	s24 =	sadd.s32 s4, s22;
	[dreg:$0xb] =	wrdreg s0  }
0xf: {  	s5 =	sadd.s32 $0x1A00, s1;
	s25 =	sadd.s32 s4, s23;
	[dreg:$0x6] =	wrdreg s24  }
.Ltmp0:
0x10: {  	[dreg:$0x8] =	wrdreg s25;
	s24 =	simm.s32 $0x1;
	(pc) =	sbr.rel .LBB2_1-.Ltmp0, $4  }
0x11: {  	s25 =	simm.s32 $0x3;
	s21 =	ssub.s32 s2, s8;
	s2 =	sadd.s32 s5, s22  }
0x12: {  	s22 =	simm.s32 $0x14D40;
	s1 =	sand.u32 $0xFFFC, s21;
	[dreg:$0x7] =	wrdreg s2  }
0x13: {  	s2 =	simm.s32 $0x0;
	[dreg:$0x4] =	wrdreg s1;
	s1 =	sadd.s32 s5, s23  }
0x14: {  	s23 =	simm.s32 $0x17140;
	[dreg:$0x9] =	wrdreg s1;
	s1 =	simm.s32 $0x1B940  }
.LBB2_14:
0x15: {  	s2 =	rddreg [dreg:$0xc]  }
0x16: {  	s0 =	rddreg [dreg:$0xb];
	s2 =	sadd.s32 $0x1, s2  }
0x17: {  	p0 =	sne.s32 s2, s0  }
.Ltmp1:
0x18: {  	_ = 	snop;
	(pc) =	sbr.rel @!p0 .LBB2_15-.Ltmp1, $1  }
0x19: {  	_ =	sdelay $0x3  }
.LBB2_1:
0x1a: {  	[dreg:$0xc] =	wrdreg s2  }
0x1b: {  	s0 =	rddreg [dreg:$0x3]  }
0x1c: {  	[tilespmem:s3], [sflag:$0x9] =	stream.linear.gather [hbm4b:s0+s3], $0x9DA0, $0x38;
	[tilespmem:$0x1CB40] =	vst v63  }
0x1d: {  	_ =	swait.ge [sflag:s18], $0x9DA0  }
0x1e: {  	[sflag:s18] =	ssyncset.done $0x0  }
.Ltmp2:
0x1f: {  	[sflag:s18] =	ssyncadd.s32 $0xFFFF6260;
	(pc) =	sbr.rel .LBB2_2-.Ltmp2, $4  }
0x20: {  	[tilespmem:s19], [sflag:$0x9] =	stream.linear.gather [hbm4b:s0+s3], $0x9DA0, $0x38;
	[tilespmem:$0x1CB40] =	vst v63  }
0x21: {  	_ =	swait.ge [sflag:s18], $0x9DA0  }
0x22: {  	[sflag:s18] =	ssyncset.done $0x0  }
0x23: {  	s21 =	simm.s32 $0x0;
	[sflag:s18] =	ssyncadd.s32 $0xFFFF6260  }
.LBB2_13:
0x24: {  	s0 =	simm.s32 $0x5  }
0x25: {  	_ =	swait.ge [sflag:s0], $0x1200  }
0x26: {  	[sflag:s0] =	ssyncset.done $0x0  }
0x27: {  	s13 =	simm.s32 $0x7;
	[sflag:s0] =	ssyncadd.s32 $0xFFFFEE00  }
0x28: {  	_ =	swait.ge [sflag:s13], $0x1200  }
0x29: {  	[sflag:s13] =	ssyncset.done $0x0  }
0x2a: {  	s14 =	simm.s32 $0x6;
	s21 =	sadd.s32 $0x1, s21;
	[sflag:s13] =	ssyncadd.s32 $0xFFFFEE00  }
0x2b: {  	p0 =	sne.s32 s21, $0x6;
	_ =	swait.ge [sflag:s14], $0x1200  }
.Ltmp3:
0x2c: {  	[sflag:s14] =	ssyncset.done $0x0;
	(pc) =	sbr.rel @!p0 .LBB2_14-.Ltmp3, $4  }
0x2d: {  	s15 =	simm.s32 $0x8;
	[sflag:s14] =	ssyncadd.s32 $0xFFFFEE00  }
0x2e: {  	_ =	swait.ge [sflag:s15], $0x1200  }
0x2f: {  	[sflag:s15] =	ssyncset.done $0x0  }
0x30: {  	s12 =	smov.u32 s20;
	[sflag:s15] =	ssyncadd.s32 $0xFFFFEE00  }
.LBB2_2:
0x31: {  	s0 =	simm.s32 $0x0;
	s2 =	rddreg [dreg:$0x6]  }
0x32: {  	s6 =	simm.s32 $0x13B40;
	s9 =	sshll.u32 s21, $0x1;
	s11 =	rddreg [dreg:$0x4]  }
0x33: {  	[tilespmem:s6], [sflag:$0x1] =	stream.linear.gather [hbm4b:s2+s0], $0x1200, $0x38;
	[tilespmem:$0x1CB40] =	vst v63  }
0x34: {  	s10 =	rddreg [dreg:$0x7];
	s2 =	sadd.s32 s11, s9  }
0x35: {  	s8 =	simm.s32 $0x15F40;
	s15 =	rddreg [dreg:$0x5];
	s6 =	smul.u32 $0x24000, s2  }
0x36: {  	[tilespmem:s8], [sflag:$0x3] =	stream.linear.gather [hbm4b:s10+s0], $0x1200, $0x38;
	[tilespmem:$0x1CB40] =	vst v63  }
0x37: {  	s13 =	rddreg [dreg:$0x8];
	s2 =	sadd.s32 s15, s6  }
0x38: {  	[tilespmem:s22], [sflag:$0x2] =	stream.linear.gather [hbm4b:s13+s0], $0x1200, $0x38;
	[tilespmem:$0x1CB40] =	vst v63  }
0x39: {  	s20 =	sadd.s32 $0x11F38, s2  }
0x3a: {  	s14 =	rddreg [dreg:$0x9];
	s8 =	sshrl.u32 s20, $0x3  }
0x3b: {  	[tilespmem:s23], [sflag:$0x4] =	stream.linear.gather [hbm4b:s14+s0], $0x1200, $0x38;
	[tilespmem:$0x1CB40] =	vst v63  }
0x3c: {  	s8 =	sadd.s32 s12, s8  }
0x3d: {  	s9 =	simm.s32 $0x30;
	s10 =	simm.s32 $0xD0;
	s11 =	sadd.s32 $0x0, s8  }
.LBB2_3:
0x3e: {  	[tilespmem:s0], [sflag:$0x9] =	stream.linear.gather [hbm4b:s11+s3], $0xC8, $0x38;
	[tilespmem:$0x1CB40] =	vst v63  }
0x3f: {  	s11 =	smov.u32 s9;
	s0 =	smov.u32 s10;
	p0 =	sne.s32 s9, $0x2400  }
.Ltmp4:
0x40: {  	s9 =	sadd.s32 $0x30, s9;
	(pc) =	sbr.rel @p0 .LBB2_3-.Ltmp4, $2  }
0x41: {  	_ =	sdelay $0x2  }
0x42: {  	s10 =	sadd.s32 $0xD0, s10;
	s11 =	sadd.s32 s11, s8  }
0x43: {  	[tilespmem:s0], [sflag:$0x9] =	stream.linear.gather [hbm4b:s11+s3], $0xC8, $0x38;
	[tilespmem:$0x1CB40] =	vst v63  }
0x44: {  	s20 =	rddreg [dreg:$0xa]  }
0x45: {  	s8 =	sadd.s32 s20, s6  }
0x46: {  	s9 =	simm.s32 $0x30;
	s0 =	sadd.s32 $0x11F38, s8  }
0x47: {  	s10 =	simm.s32 $0x9E70;
	_ =	swait.ge [sflag:s18], $0x96C8;
	s0 =	sshrl.u32 s0, $0x3  }
0x48: {  	s20 =	smov.u32 s12;
	[sflag:s18] =	ssyncset.done $0x0;
	s0 =	sadd.s32 s12, s0  }
0x49: {  	s6 =	simm.s32 $0x9DA0;
	[sflag:s18] =	ssyncadd.s32 $0xFFFF6938;
	s11 =	sadd.s32 $0x0, s0  }
.LBB2_5:
0x4a: {  	[tilespmem:s6], [sflag:$0x9] =	stream.linear.gather [hbm4b:s11+s3], $0xC8, $0x38;
	[tilespmem:$0x1CB40] =	vst v63  }
0x4b: {  	s11 =	smov.u32 s9;
	s6 =	smov.u32 s10;
	p0 =	sne.s32 s9, $0x2400  }
.Ltmp5:
0x4c: {  	s9 =	sadd.s32 $0x30, s9;
	(pc) =	sbr.rel @p0 .LBB2_5-.Ltmp5, $2  }
0x4d: {  	_ =	sdelay $0x2  }
0x4e: {  	s10 =	sadd.s32 $0xD0, s10;
	s11 =	sadd.s32 s11, s0  }
0x4f: {  	[tilespmem:s6], [sflag:$0x9] =	stream.linear.gather [hbm4b:s11+s3], $0xC8, $0x38;
	[tilespmem:$0x1CB40] =	vst v63  }
0x50: {  	_ =	swait.ge [sflag:s18], $0x96C8  }
0x51: {  	[sflag:s18] =	ssyncset.done $0x0  }
0x52: {  	s10 =	simm.s32 $0x0;
	[sflag:s18] =	ssyncadd.s32 $0xFFFF6938  }
.LBB2_7:
0x53: {  	_ =	swait.ge [sflag:s24], $0x1200  }
0x54: {  	[sflag:s24] =	ssyncset.done $0x0  }
0x55: {  	[sflag:s24] =	ssyncadd.s32 $0xFFFFEE00  }
0x56: {  	_ =	swait.ge [sflag:s25], $0x1200  }
0x57: {  	p0 =	seq.s32 s10, $0x0;
	[sflag:s25] =	ssyncset.done $0x0  }
0x58: {  	s0 =	simm.s32 @!p0 $0x5;
	[sflag:s25] =	ssyncadd.s32 $0xFFFFEE00  }
0x59: {  	_ =	swait.ge @!p0 [sflag:s0], $0x1200  }
0x5a: {  	[sflag:s0] =	ssyncset.done @!p0 $0x0  }
0x5b: {  	[sflag:s0] =	ssyncadd.s32 @!p0 $0xFFFFEE00;
	s0 =	simm.s32 @!p0 $0x7  }
0x5c: {  	_ =	swait.ge @!p0 [sflag:s0], $0x1200  }
0x5d: {  	[sflag:s0] =	ssyncset.done @!p0 $0x0  }
0x5e: {  	s13 =	simm.s32 $0x15F60;
	[sflag:s0] =	ssyncadd.s32 @!p0 $0xFFFFEE00  }
0x5f: {  	s6 =	simm.s32 $0x13B60;
	v0 =	vld [tilespmem:s13+$0x10]  }
0x60: {  	v1 =	vld [tilespmem:s6+$0x10]  }
0x61: {  	v2 =	vld [tilespmem:s13+$0xFFFFFFE0]  }
0x62: {  	v3 =	vld [tilespmem:s13+$0xFFFFFFF0]  }
0x63: {  	v4 =	vld [tilespmem:s13+$0x0]  }
0x64: {  	v8 =	vld [tilespmem:s6+$0xFFFFFFF0]  }
0x65: {  	v10 =	vld [tilespmem:s6+$0xFFFFFFE0]  }
0x66: {  	v9 =	vld [tilespmem:s6+$0x0]  }
0x67: {  	v0 =	vmul.f32 $1.920000000e+02, v0  }
0x68: {  	v1 =	vmul.f32 $1.920000000e+02, v1;
	v2 =	vmul.f32 $1.920000000e+02, v2  }
0x69: {  	v5 =	vmul.f32 $1.920000000e+02, v3;
	v4 =	vmul.f32 $1.920000000e+02, v4;
	v0 =	vadd.f32 $5.000000000e-01, v0  }
0x6a: {  	v8 =	vmul.f32 $1.920000000e+02, v8;
	v10 =	vmul.f32 $1.920000000e+02, v10;
	v1 =	vadd.f32 $7.500000000e+00, v1  }
0x6b: {  	v9 =	vmul.f32 $1.920000000e+02, v9;
	v3 =	vtrunc.f32 v0  }
0x6c: {  	v6 =	vtrunc.f32 v1;
	v7 =	vcvt.f32.s32 v3  }
0x6d: {  	v8 =	vadd.f32 $7.500000000e+00, v8;
	v19 =	vadd.f32 $7.500000000e+00, v9;
	v6 =	vcvt.f32.s32 v6  }
0x6e: {  	v3 =	vadd.f32 $5.000000000e-01, v2;
	v2 =	vadd.f32 $5.000000000e-01, v5;
	v5 =	vmul.u32 $0xD0, v7  }
0x6f: {  	v11 =	vadd.s32 $0x1, v6;
	v12 =	vand.u32 $0xFFFFFFF8, v6;
	v13 =	vand.u32 $0x7, v6  }
0x70: {  	v15 =	vand.u32 $0xFFFFFFF8, v11;
	v11 =	vand.u32 $0x7, v11;
	v14 =	vadd.s32 v12, v5  }
0x71: {  	v16 =	vadd.s32 v15, v5;
	v17 =	vadd.s32 $0xD0, v5;
	v14 =	vor.u32 v13, v14  }
0x72: {  	v22 =	vtrunc.f32 v8;
	v16 =	vor.u32 v11, v16;
	v12 =	vadd.s32 v12, v17  }
0x73: {  	v5 =	vadd.f32 $5.000000000e-01, v4;
	v4 =	vor.u32 v13, v12;
	v12 =	vadd.s32 v15, v17  }
0x74: {  	v24 =	vtrunc.f32 v19;
	v26 =	vcvt.f32.s32 v22;
	v12 =	vor.u32 v11, v12  }
0x75: {  	v6 =	vcvt.s32.f32 v6;
	v11 =	vtrunc.f32 v3  }
0x76: {  	v13 =	vtrunc.f32 v2;
	v17 =	vcvt.f32.s32 v11;
	v11 =	vld.idx.msk [tilespmem:v14+s3+$0x0], $0xffff  }
0x77: {  	v15 =	vadd.f32 $7.500000000e+00, v10;
	v10 =	vtrunc.f32 v5;
	v18 =	vcvt.f32.s32 v13;
	v13 =	vld.idx.msk [tilespmem:v16+s3+$0x0], $0xffff  }
0x78: {  	v28 =	vcvt.f32.s32 v24;
	v20 =	vcvt.f32.s32 v10;
	v10 =	vld.idx.msk [tilespmem:v4+s3+$0x0], $0xffff  }
0x79: {  	v7 =	vcvt.s32.f32 v7;
	v6 =	vsub.f32 v1, v6;
	v23 =	vld.idx.msk [tilespmem:v12+s3+$0x0], $0xffff  }
0x7a: {  	v25 =	vadd.s32 $0x1, v26;
	v30 =	vadd.s32 $0x1, v28;
	v36 =	vand.u32 $0xFFFFFFF8, v26  }
0x7b: {  	v37 =	vand.u32 $0xFFFFFFF8, v28;
	v63 =	vand.u32 $0x7, v26;
	v27 =	vsub.f32 $1.000000000e+00, v6  }
0x7c: {  	v32 =	vand.u32 $0xFFFFFFF8, v25;
	v35 =	vand.u32 $0xFFFFFFF8, v30;
	v9 =	vtrunc.f32 v15  }
0x7d: {  	v7 =	vsub.f32 v0, v7;
	v0 =	vmul.f32 v27, v11;
	v11 =	vmul.f32 v6, v13  }
0x7e: {  	v42 =	vand.u32 $0x7, v25;
	v10 =	vmul.f32 v27, v10;
	v23 =	vmul.f32 v6, v23  }
0x7f: {  	v34 =	vsub.f32 $1.000000000e+00, v7;
	v1 =	vcvt.f32.s32 v9;
	v9 =	vmul.u32 $0xD0, v18  }
0x80: {  	v21 =	vmul.u32 $0xD0, v17;
	v0 =	vadd.f32 v0, v11;
	v10 =	vadd.f32 v10, v23  }
0x81: {  	v22 =	vadd.s32 $0x1, v1;
	v29 =	vadd.s32 $0xD0, v9;
	v33 =	vand.u32 $0xFFFFFFF8, v1  }
0x82: {  	v39 =	vand.u32 $0x7, v1;
	v0 =	vmul.f32 v0, v34;
	v10 =	vmul.f32 v10, v7  }
0x83: {  	v24 =	vadd.s32 $0xD0, v21;
	v31 =	vand.u32 $0xFFFFFFF8, v22;
	v38 =	vadd.s32 v36, v29  }
0x84: {  	v29 =	vadd.s32 v32, v29;
	v13 =	vmul.u32 $0xD0, v20;
	v0 =	vadd.f32 v10, v0  }
0x85: {  	s14 =	simm.s32 $0x18360;
	v41 =	vand.u32 $0x7, v22;
	v25 =	vor.u32 v63, v38;
	v11 =	vadd.s32 v33, v24  }
0x86: {  	v24 =	vadd.s32 v31, v24;
	v11 =	vor.u32 v39, v11;
	v23 =	vadd.s32 $0xD0, v13;
	[tilespmem:s14+$0x10] =	vst v0  }
0x87: {  	v40 =	vadd.s32 v37, v23;
	v10 =	vor.u32 v41, v24;
	v24 =	vor.u32 v42, v29;
	v14 =	vld.idx.msk [tilespmem:v14+s19+$0x0], $0xffff  }
0x88: {  	v0 =	vadd.s32 v33, v21;
	v21 =	vadd.s32 v31, v21;
	v31 =	vand.u32 $0x7, v28;
	v16 =	vld.idx.msk [tilespmem:v16+s19+$0x0], $0xffff;
	[tilespmem:$0x1FFC0] =	vst v25  }
0x89: {  	v30 =	vand.u32 $0x7, v30;
	v23 =	vadd.s32 v35, v23;
	[tilespmem:$0x1FFD0] =	vst v24;
	v22 =	vor.u32 v31, v40  }
0x8a: {  	v23 =	vor.u32 v30, v23;
	v29 =	vadd.s32 v36, v9;
	v4 =	vld.idx.msk [tilespmem:v4+s19+$0x0], $0xffff;
	[tilespmem:$0x1FFE0] =	vst v22  }
0x8b: {  	v32 =	vadd.s32 v32, v9;
	v9 =	vor.u32 v63, v29;
	v45 =	vld.idx.msk [tilespmem:v12+s19+$0x0], $0xffff;
	[tilespmem:$0x1FFF0] =	vst v23  }
0x8c: {  	v32 =	vor.u32 v42, v32;
	v46 =	vld.idx.msk [tilespmem:v11+s3+$0x0], $0xffff  }
0x8d: {  	v12 =	vor.u32 v41, v21;
	v21 =	vld.idx.msk [tilespmem:v10+s3+$0x0], $0xffff  }
0x8e: {  	v18 =	vcvt.s32.f32 v18;
	v37 =	vadd.s32 v37, v13;
	v35 =	vadd.s32 v35, v13;
	v47 =	vld.idx.msk [tilespmem:v25+s3+$0x0], $0xffff  }
0x8f: {  	v13 =	vor.u32 v39, v0;
	v0 =	vcvt.s32.f32 v1;
	v1 =	vcvt.s32.f32 v26;
	v26 =	vld.idx.msk [tilespmem:v24+s3+$0x0], $0xffff  }
0x90: {  	v2 =	vsub.f32 v2, v18;
	v29 =	vor.u32 v30, v35;
	v30 =	vcvt.s32.f32 v28;
	v48 =	vld.idx.msk [tilespmem:v9+s3+$0x0], $0xffff  }
0x91: {  	v28 =	vsub.f32 v15, v0;
	v15 =	vcvt.s32.f32 v17;
	v1 =	vsub.f32 v8, v1;
	v49 =	vld.idx.msk [tilespmem:v32+s3+$0x0], $0xffff  }
0x92: {  	v0 =	vsub.f32 v19, v30;
	v17 =	vld.idx.msk [tilespmem:v22+s3+$0x0], $0xffff;
	v8 =	vmul.f32 v14, v27;
	v14 =	vmul.f32 v16, v6  }
0x93: {  	v25 =	vor.u32 v31, v37;
	v16 =	vld.idx.msk [tilespmem:v23+s3+$0x0], $0xffff;
	v4 =	vmul.f32 v4, v27;
	v6 =	vmul.f32 v45, v6  }
0x94: {  	v20 =	vcvt.s32.f32 v20;
	v33 =	vsub.f32 $1.000000000e+00, v28;
	v30 =	vsub.f32 $1.000000000e+00, v1;
	v19 =	vld.idx.msk [tilespmem:v13+s3+$0x0], $0xffff  }
0x95: {  	v8 =	vadd.f32 v14, v8;
	v14 =	vld.idx.msk [tilespmem:v12+s3+$0x0], $0xffff;
	v18 =	vmul.f32 v1, v26;
	v27 =	vadd.f32 v6, v4  }
0x96: {  	s11 =	simm.s32 $0x13BA0;
	v26 =	vld.idx.msk [tilespmem:v29+s3+$0x0], $0xffff;
	v4 =	vsub.f32 v3, v15;
	v15 =	vmul.f32 v33, v46;
	v6 =	vsub.f32 $1.000000000e+00, v0  }
0x97: {  	v3 =	vsub.f32 v5, v20;
	v20 =	vld [tilespmem:s11+$0x10];
	v27 =	vmul.f32 v27, v7;
	v7 =	vmul.f32 v28, v21  }
0x98: {  	s15 =	simm.s32 $0x15FA0;
	v34 =	vmul.f32 v8, v34;
	v8 =	vmul.f32 v30, v47;
	v21 =	vld.idx.msk [tilespmem:v25+s3+$0x0], $0xffff  }
0x99: {  	v35 =	vmul.f32 v30, v48;
	v5 =	vadd.f32 v15, v7;
	v15 =	vmul.f32 v6, v17;
	v17 =	vld [tilespmem:s15+$0x10]  }
0x9a: {  	v19 =	vmul.f32 v33, v19;
	v18 =	vadd.f32 v8, v18;
	v14 =	vmul.f32 v28, v14  }
0x9b: {  	v36 =	vmul.f32 v1, v49;
	v16 =	vmul.f32 v0, v16  }
0x9c: {  	v8 =	vsub.f32 $1.000000000e+00, v4;
	v18 =	vmul.f32 v18, v2;
	v14 =	vadd.f32 v19, v14  }
0x9d: {  	v20 =	vmul.f32 $1.920000000e+02, v20;
	v15 =	vadd.f32 v15, v16;
	v16 =	vmul.f32 v0, v26  }
0x9e: {  	[tilespmem:$0x1FF80] =	vst v4;
	v19 =	vadd.f32 v35, v36;
	v21 =	vmul.f32 v6, v21;
	v17 =	vmul.f32 $1.920000000e+02, v17  }
0x9f: {  	[tilespmem:$0x1FF90] =	vst v2;
	v50 =	vmul.f32 v5, v4;
	v4 =	vsub.f32 $1.000000000e+00, v2;
	v2 =	vsub.f32 $1.000000000e+00, v3  }
0xa0: {  	v26 =	vld [tilespmem:s15+$0xFFFFFFE0];
	v16 =	vadd.f32 v21, v16;
	v17 =	vadd.f32 $5.000000000e-01, v17  }
0xa1: {  	v20 =	vadd.f32 $7.500000000e+00, v20;
	v15 =	vmul.f32 v15, v3;
	v19 =	vmul.f32 v19, v4  }
0xa2: {  	v35 =	vadd.f32 v27, v34;
	v16 =	vmul.f32 v16, v2;
	v27 =	vtrunc.f32 v17  }
0xa3: {  	[tilespmem:$0x1FFA0] =	vst v3;
	v51 =	vtrunc.f32 v20;
	v27 =	vcvt.f32.s32 v27  }
0xa4: {  	v14 =	vmul.f32 v14, v8;
	v21 =	vld [tilespmem:s15+$0xFFFFFFF0];
	[tilespmem:$0x1FFB0] =	vst v2;
	v42 =	vadd.f32 v15, v16;
	v16 =	vcvt.f32.s32 v51  }
0xa5: {  	v19 =	vadd.f32 v18, v19;
	v18 =	vld [tilespmem:s11+$0xFFFFFFF0];
	v26 =	vmul.f32 $1.920000000e+02, v26;
	v52 =	vmul.u32 $0xD0, v27  }
0xa6: {  	v15 =	vld [tilespmem:s15+$0x0];
	v54 =	vadd.s32 $0x1, v16;
	v55 =	vand.u32 $0xFFFFFFF8, v16;
	v56 =	vand.u32 $0x7, v16  }
0xa7: {  	v53 =	vld [tilespmem:s11+$0xFFFFFFE0];
	v43 =	vand.u32 $0xFFFFFFF8, v54;
	v37 =	vand.u32 $0x7, v54;
	v58 =	vadd.s32 v55, v52  }
0xa8: {  	v57 =	vld [tilespmem:s11+$0x0];
	v44 =	vadd.s32 v43, v52;
	v34 =	vadd.s32 $0xD0, v52;
	v41 =	vor.u32 v56, v58  }
0xa9: {  	v45 =	vadd.f32 $5.000000000e-01, v26;
	v26 =	vor.u32 v37, v44;
	v38 =	vadd.s32 v55, v34  }
0xaa: {  	v21 =	vmul.f32 $1.920000000e+02, v21;
	v34 =	vadd.s32 v43, v34;
	v38 =	vor.u32 v56, v38  }
0xab: {  	v14 =	vadd.f32 v50, v14;
	v15 =	vmul.f32 $1.920000000e+02, v15;
	v34 =	vor.u32 v37, v34  }
0xac: {  	v18 =	vmul.f32 $1.920000000e+02, v18;
	v16 =	vcvt.s32.f32 v16;
	v39 =	vadd.f32 $5.000000000e-01, v21  }
0xad: {  	v21 =	vmul.f32 $1.920000000e+02, v53;
	v36 =	vadd.f32 $5.000000000e-01, v15;
	v15 =	vmul.f32 $1.920000000e+02, v57;
	v60 =	vld.idx.msk [tilespmem:v41+s3+$0x0], $0xffff  }
0xae: {  	v27 =	vcvt.s32.f32 v27;
	v50 =	vsub.f32 v20, v16;
	v59 =	vtrunc.f32 v39;
	v46 =	vld.idx.msk [tilespmem:v26+s3+$0x0], $0xffff  }
0xaf: {  	v44 =	vadd.f32 $7.500000000e+00, v18;
	v18 =	vtrunc.f32 v36;
	v47 =	vadd.f32 $7.500000000e+00, v15;
	v15 =	vld.idx.msk [tilespmem:v38+s3+$0x0], $0xffff  }
0xb0: {  	v37 =	vadd.f32 $7.500000000e+00, v21;
	v21 =	vtrunc.f32 v45;
	v49 =	vcvt.f32.s32 v18;
	v18 =	vld.idx.msk [tilespmem:v34+s3+$0x0], $0xffff  }
0xb1: {  	v40 =	vcvt.f32.s32 v59;
	v48 =	vcvt.f32.s32 v21  }
0xb2: {  	v52 =	vsub.f32 $1.000000000e+00, v50;
	v20 =	vtrunc.f32 v44;
	v21 =	vtrunc.f32 v37  }
0xb3: {  	v56 =	vsub.f32 v17, v27;
	v54 =	vcvt.f32.s32 v20;
	v51 =	vcvt.f32.s32 v21  }
0xb4: {  	v53 =	vmul.u32 $0xD0, v40;
	v17 =	vmul.f32 v52, v60;
	v20 =	vmul.f32 v50, v46  }
0xb5: {  	v16 =	vmul.u32 $0xD0, v48;
	v15 =	vmul.f32 v52, v15;
	v18 =	vmul.f32 v50, v18  }
0xb6: {  	v21 =	vtrunc.f32 v47;
	v57 =	vadd.s32 $0x1, v54;
	v46 =	vsub.f32 $1.000000000e+00, v56  }
0xb7: {  	v55 =	vcvt.f32.s32 v21;
	v17 =	vadd.f32 v17, v20;
	v15 =	vadd.f32 v15, v18  }
0xb8: {  	v21 =	vadd.s32 $0x1, v51;
	v27 =	vadd.s32 $0xD0, v16;
	v43 =	vmul.u32 $0xD0, v49  }
0xb9: {  	v62 =	vand.u32 $0xFFFFFFF8, v51;
	v17 =	vmul.f32 v17, v46;
	v15 =	vmul.f32 v15, v56  }
0xba: {  	[tilespmem:s14+$0xFFFFFFE0] =	vst v14;
	v49 =	vcvt.s32.f32 v49;
	v59 =	vand.u32 $0xFFFFFFF8, v21;
	v63 =	vadd.s32 v62, v27  }
0xbb: {  	[tilespmem:s14+$0xFFFFFFF0] =	vst v19;
	v62 =	vadd.s32 v62, v16;
	v21 =	vand.u32 $0x7, v21;
	v15 =	vadd.f32 v15, v17  }
0xbc: {  	s12 =	simm.s32 $0x183A0;
	v23 =	vld.idx.msk [tilespmem:v13+s19+$0x0], $0xffff;
	[tilespmem:s14+$0x0] =	vst v42;
	v58 =	vadd.s32 $0xD0, v43;
	v14 =	vand.u32 $0xFFFFFFF8, v55;
	v27 =	vadd.s32 v59, v27  }
0xbd: {  	v24 =	vld.idx.msk [tilespmem:v12+s19+$0x0], $0xffff;
	v16 =	vadd.s32 v59, v16;
	v12 =	vadd.s32 v14, v58;
	v60 =	vand.u32 $0xFFFFFFF8, v57;
	[tilespmem:s12+$0x10] =	vst v15  }
0xbe: {  	v57 =	vand.u32 $0x7, v57;
	v20 =	vadd.s32 $0x1, v55;
	v18 =	vadd.s32 $0xD0, v53;
	v2 =	vld [tilespmem:$0x1FFC0]  }
0xbf: {  	v31 =	vld.idx.msk [tilespmem:v10+s19+$0x0], $0xffff;
	v61 =	vand.u32 $0xFFFFFFF8, v20;
	v59 =	vadd.s32 v60, v18;
	v17 =	vand.u32 $0xFFFFFFF8, v54  }
0xc0: {  	v13 =	vadd.s32 v17, v18;
	v17 =	vadd.s32 v17, v53;
	v53 =	vadd.s32 v60, v53;
	v60 =	vld.idx.msk [tilespmem:v11+s19+$0x0], $0xffff  }
0xc1: {  	v11 =	vadd.s32 v61, v58;
	v58 =	vadd.s32 v14, v43;
	v14 =	vor.u32 v57, v59;
	v59 =	vld.idx.msk [tilespmem:v9+s19+$0x0], $0xffff  }
0xc2: {  	v36 =	vsub.f32 v36, v49;
	v19 =	vor.u32 v21, v27;
	v41 =	vld.idx.msk [tilespmem:v41+s19+$0x0], $0xffff  }
0xc3: {  	v10 =	vadd.s32 v61, v43;
	v43 =	vand.u32 $0x7, v51;
	v61 =	vand.u32 $0x7, v20;
	v22 =	vld.idx.msk [tilespmem:v26+s19+$0x0], $0xffff  }
0xc4: {  	v20 =	vand.u32 $0x7, v54;
	v18 =	vor.u32 v43, v63;
	v63 =	vand.u32 $0x7, v55;
	v38 =	vld.idx.msk [tilespmem:v38+s19+$0x0], $0xffff  }
0xc5: {  	v15 =	vor.u32 v20, v13;
	v13 =	vor.u32 v63, v12;
	v12 =	vor.u32 v61, v11;
	v11 =	vld.idx.msk [tilespmem:v34+s19+$0x0], $0xffff  }
0xc6: {  	v27 =	vor.u32 v21, v16;
	v21 =	vor.u32 v20, v17;
	v20 =	vor.u32 v57, v53;
	v49 =	vld.idx.msk [tilespmem:v2+s19+$0x0], $0xffff  }
0xc7: {  	v2 =	vld [tilespmem:$0x1FFD0]  }
0xc8: {  	v9 =	vcvt.s32.f32 v51;
	v51 =	vld.idx.msk [tilespmem:v19+s3+$0x0], $0xffff;
	v16 =	vor.u32 v61, v10;
	v10 =	vcvt.s32.f32 v54  }
0xc9: {  	v53 =	vcvt.s32.f32 v40;
	v26 =	vor.u32 v43, v62;
	v17 =	vor.u32 v63, v58;
	v43 =	vld.idx.msk [tilespmem:v18+s3+$0x0], $0xffff  }
0xca: {  	v61 =	vcvt.s32.f32 v55;
	v9 =	vsub.f32 v37, v9;
	v37 =	vsub.f32 v44, v10;
	v44 =	vld.idx.msk [tilespmem:v15+s3+$0x0], $0xffff  }
0xcb: {  	v39 =	vsub.f32 v39, v53;
	v53 =	vld.idx.msk [tilespmem:v20+s3+$0x0], $0xffff;
	v38 =	vmul.f32 v38, v52;
	v63 =	vmul.f32 v11, v50  }
0xcc: {  	v62 =	vmul.f32 v41, v52;
	v22 =	vmul.f32 v22, v50;
	v41 =	vld.idx.msk [tilespmem:v14+s3+$0x0], $0xffff  }
0xcd: {  	v34 =	vsub.f32 v47, v61;
	v50 =	vld.idx.msk [tilespmem:v13+s3+$0x0], $0xffff;
	v47 =	vadd.f32 v63, v38  }
0xce: {  	s13 =	simm.s32 $0x1A760;
	v57 =	vld.idx.msk [tilespmem:v12+s3+$0x0], $0xffff;
	v22 =	vadd.f32 v22, v62  }
0xcf: {  	[tilespmem:s13+$0x10] =	vst v35;
	v47 =	vmul.f32 v47, v56;
	v56 =	vmul.f32 v24, v28;
	v24 =	vld.idx.msk [tilespmem:v2+s19+$0x0], $0xffff  }
0xd0: {  	v11 =	vsub.f32 $1.000000000e+00, v9;
	v2 =	vld [tilespmem:$0x1FFE0]  }
0xd1: {  	v10 =	vsub.f32 $1.000000000e+00, v37;
	v62 =	vmul.f32 v9, v51;
	v51 =	vld.idx.msk [tilespmem:v21+s3+$0x0], $0xffff;
	v22 =	vmul.f32 v22, v46  }
0xd2: {  	v40 =	vsub.f32 $1.000000000e+00, v34;
	v43 =	vmul.f32 v11, v43  }
0xd3: {  	v44 =	vmul.f32 v10, v44;
	v63 =	vmul.f32 v37, v41;
	v52 =	vadd.f32 v47, v22;
	v22 =	vld.idx.msk [tilespmem:v16+s3+$0x0], $0xffff  }
0xd4: {  	v61 =	vld.idx.msk [tilespmem:v27+s3+$0x0], $0xffff;
	v50 =	vmul.f32 v40, v50;
	v57 =	vmul.f32 v34, v57  }
0xd5: {  	v58 =	vld.idx.msk [tilespmem:v26+s3+$0x0], $0xffff;
	v43 =	vadd.f32 v43, v62;
	v44 =	vadd.f32 v44, v63  }
0xd6: {  	v62 =	vadd.f32 v50, v57;
	v63 =	vmul.f32 v10, v51;
	v57 =	vmul.f32 v37, v53  }
0xd7: {  	v48 =	vcvt.s32.f32 v48;
	v55 =	vld.idx.msk [tilespmem:v32+s19+$0x0], $0xffff  }
0xd8: {  	v32 =	vmul.f32 v62, v36;
	v62 =	vadd.f32 v63, v57;
	v63 =	vmul.f32 v34, v22;
	v22 =	vld.idx.msk [tilespmem:v2+s19+$0x0], $0xffff  }
0xd9: {  	v23 =	vmul.f32 v23, v33;
	v2 =	vld [tilespmem:$0x1FFF0]  }
0xda: {  	v38 =	vsub.f32 v45, v48;
	v61 =	vmul.f32 v9, v61;
	v46 =	vld.idx.msk [tilespmem:v17+s3+$0x0], $0xffff;
	v58 =	vmul.f32 v11, v58  }
0xdb: {  	v33 =	vmul.f32 v60, v33;
	v28 =	vmul.f32 v31, v28  }
0xdc: {  	v41 =	vsub.f32 $1.000000000e+00, v38;
	v47 =	vadd.f32 v58, v61  }
0xdd: {  	v31 =	vmul.f32 v59, v30;
	v28 =	vadd.f32 v28, v33;
	v33 =	vmul.f32 v55, v1  }
0xde: {  	v54 =	vmul.f32 v43, v38;
	v61 =	vmul.f32 v47, v41  }
0xdf: {  	v7 =	vmovc v4;
	v25 =	vld.idx.msk [tilespmem:v25+s19+$0x0], $0xffff;
	v42 =	vsub.f32 $1.000000000e+00, v39;
	v30 =	vmul.f32 v49, v30;
	v58 =	vmul.f32 v40, v46  }
0xe0: {  	s14 =	simm.s32 $0x1A7A0;
	v29 =	vld.idx.msk [tilespmem:v29+s19+$0x0], $0xffff;
	v45 =	vmul.f32 v44, v39;
	v44 =	vadd.f32 v56, v23;
	v48 =	vadd.f32 v54, v61  }
0xe1: {  	s9 =	smul.u32 $0x2400, s10;
	s0 =	simm.s32 $0x4;
	s15 =	simm.s32 $0x15FE0;
	v43 =	vsub.f32 $1.000000000e+00, v36;
	v47 =	vmul.f32 v62, v42;
	v46 =	vadd.f32 v58, v63;
	[tilespmem:s14+$0x10] =	vst v52;
	v23 =	vld.idx.msk [tilespmem:v2+s19+$0x0], $0xffff  }
.LBB2_8:
0xe2: {  	v2 =	vld [tilespmem:$0x1FF80];
	_ =	sdelay $0x4  }
0xe3: {  	v28 =	vmul.f32 v28, v2;
	v2 =	vld [tilespmem:$0x1FF90]  }
0xe4: {  	v24 =	vmul.f32 v24, v1;
	_ =	sdelay $0x1  }
0xe5: {  	v24 =	vadd.f32 v24, v30;
	_ =	sdelay $0x1  }
0xe6: {  	v35 =	vld [tilespmem:s15+$0x10];
	v24 =	vmul.f32 v24, v2;
	v2 =	vmov v39  }
0xe7: {  	s11 =	sadd.s32 $0x40, s11;
	[tilespmem:$0x1FF90] =	vst v2;
	v2 =	vld [tilespmem:$0x1FFB0]  }
0xe8: {  	v25 =	vmul.f32 v25, v6;
	v29 =	vmul.f32 v29, v0;
	[tilespmem:s12+$0xFFFFFFE0] =	vst v48;
	v45 =	vadd.f32 v45, v47;
	v57 =	vld [tilespmem:s11+$0x10]  }
0xe9: {  	v31 =	vadd.f32 v33, v31;
	v58 =	vld [tilespmem:s15+$0xFFFFFFE0]  }
0xea: {  	v3 =	vmul.f32 v22, v6;
	v22 =	vmul.f32 v23, v0;
	v25 =	vadd.f32 v29, v25;
	v29 =	vld [tilespmem:s15+$0x0];
	[tilespmem:s12+$0xFFFFFFF0] =	vst v45  }
0xeb: {  	v46 =	vmul.f32 v46, v43;
	v30 =	vmul.f32 v31, v7;
	v23 =	vld [tilespmem:s15+$0xFFFFFFF0]  }
0xec: {  	v31 =	vmul.f32 $1.920000000e+02, v35;
	v62 =	vmul.f32 v25, v2;
	v2 =	vld [tilespmem:$0x1FFA0]  }
0xed: {  	v4 =	vmul.f32 v44, v8;
	v32 =	vadd.f32 v32, v46;
	v59 =	vld [tilespmem:s11+$0xFFFFFFF0]  }
0xee: {  	v22 =	vadd.f32 v22, v3;
	v3 =	vmovc v36;
	v36 =	vld.idx.msk [tilespmem:v26+s19+$0x0], $0xffff;
	v61 =	vmul.f32 $1.920000000e+02, v57;
	v63 =	vadd.f32 $5.000000000e-01, v31  }
0xef: {  	[tilespmem:s12+$0x0] =	vst v32;
	v28 =	vadd.f32 v28, v4;
	v33 =	vmul.f32 $1.920000000e+02, v58;
	v25 =	vld [tilespmem:s11+$0xFFFFFFE0]  }
0xf0: {  	v60 =	vld [tilespmem:s11+$0x0];
	v57 =	vadd.f32 $7.500000000e+00, v61;
	v26 =	vtrunc.f32 v63  }
0xf1: {  	v5 =	vmovc v38;
	v38 =	vadd.f32 $5.000000000e-01, v33;
	[tilespmem:s13+$0xFFFFFFE0] =	vst v28;
	v56 =	vmul.f32 v22, v2;
	v22 =	vmul.f32 $1.920000000e+02, v23  }
0xf2: {  	v26 =	vcvt.f32.s32 v26;
	v31 =	vld.idx.msk [tilespmem:v18+s19+$0x0], $0xffff;
	v18 =	vmul.f32 $1.920000000e+02, v59;
	v23 =	vadd.f32 v24, v30  }
0xf3: {  	v32 =	vld.idx.msk [tilespmem:v27+s19+$0x0], $0xffff;
	v24 =	vmul.f32 $1.920000000e+02, v29;
	v39 =	vadd.f32 $5.000000000e-01, v22;
	v22 =	vtrunc.f32 v57  }
0xf4: {  	v1 =	vmovc v37;
	v28 =	vld.idx.msk [tilespmem:v19+s19+$0x0], $0xffff;
	v37 =	vadd.f32 $7.500000000e+00, v18;
	v19 =	vmul.f32 $1.920000000e+02, v25;
	v27 =	vcvt.f32.s32 v22  }
0xf5: {  	v8 =	vmovc v41;
	[tilespmem:s13+$0xFFFFFFF0] =	vst v23;
	v41 =	vadd.f32 $5.000000000e-01, v24;
	v23 =	vmul.u32 $0xD0, v26;
	v22 =	vmul.f32 $1.920000000e+02, v60  }
0xf6: {  	v0 =	vmovc v34;
	v34 =	vadd.f32 $7.500000000e+00, v19;
	v26 =	vcvt.s32.f32 v26;
	v33 =	vld.idx.msk [tilespmem:v21+s19+$0x0], $0xffff;
	v21 =	vadd.s32 $0x1, v27  }
0xf7: {  	v6 =	vmovc v40;
	v30 =	vld.idx.msk [tilespmem:v20+s19+$0x0], $0xffff;
	v25 =	vand.u32 $0xFFFFFFF8, v27;
	v29 =	vand.u32 $0x7, v27;
	v40 =	vadd.f32 $7.500000000e+00, v22  }
0xf8: {  	v22 =	vld.idx.msk [tilespmem:v13+s19+$0x0], $0xffff;
	v13 =	vtrunc.f32 v39;
	v20 =	vadd.s32 v25, v23;
	v58 =	vand.u32 $0xFFFFFFF8, v21  }
0xf9: {  	v35 =	vld.idx.msk [tilespmem:v15+s19+$0x0], $0xffff;
	v21 =	vand.u32 $0x7, v21;
	v45 =	vcvt.f32.s32 v13;
	v15 =	vor.u32 v29, v20  }
0xfa: {  	v20 =	vadd.s32 v58, v23;
	v23 =	vadd.s32 $0xD0, v23;
	v59 =	vtrunc.f32 v40  }
0xfb: {  	v24 =	vld.idx.msk [tilespmem:v14+s19+$0x0], $0xffff;
	v14 =	vor.u32 v21, v20;
	v19 =	vadd.s32 v25, v23;
	v18 =	vadd.s32 v58, v23  }
0xfc: {  	v25 =	vld.idx.msk [tilespmem:v17+s19+$0x0], $0xffff;
	v47 =	vmul.u32 $0xD0, v45;
	v48 =	vcvt.f32.s32 v59;
	v17 =	vor.u32 v29, v19  }
0xfd: {  	v45 =	vcvt.s32.f32 v45;
	v29 =	vld.idx.msk [tilespmem:v16+s19+$0x0], $0xffff;
	v16 =	vtrunc.f32 v38;
	v20 =	vor.u32 v21, v18  }
0xfe: {  	v7 =	vmovc v42;
	v42 =	vsub.f32 v63, v26;
	v23 =	vld.idx.msk [tilespmem:v12+s19+$0x0], $0xffff;
	v18 =	vtrunc.f32 v41;
	v19 =	vtrunc.f32 v37  }
0xff: {  	v12 =	vadd.f32 v56, v62;
	v21 =	vcvt.s32.f32 v27;
	v44 =	vcvt.f32.s32 v16;
	v13 =	vld.idx.msk [tilespmem:v15+s3+$0x0], $0xffff  }
0x100: {  	v59 =	vsub.f32 $1.000000000e+00, v42;
	v16 =	vtrunc.f32 v34;
	v46 =	vcvt.f32.s32 v18;
	v18 =	vld.idx.msk [tilespmem:v14+s3+$0x0], $0xffff  }
0x101: {  	v50 =	vcvt.f32.s32 v19;
	v54 =	vadd.s32 $0xD0, v47;
	v55 =	vadd.s32 $0x1, v48;
	v27 =	vld.idx.msk [tilespmem:v17+s3+$0x0], $0xffff  }
0x102: {  	v2 =	vmovc v43;
	v61 =	vand.u32 $0xFFFFFFF8, v48;
	v4 =	vand.u32 $0x7, v48;
	v43 =	vsub.f32 v57, v21;
	v49 =	vld.idx.msk [tilespmem:v20+s3+$0x0], $0xffff  }
0x103: {  	v39 =	vsub.f32 v39, v45;
	v16 =	vcvt.f32.s32 v16;
	v58 =	vand.u32 $0xFFFFFFF8, v55  }
0x104: {  	[tilespmem:s13+$0x0] =	vst v12;
	v55 =	vand.u32 $0x7, v55;
	v12 =	vmul.u32 $0xD0, v44;
	v53 =	vsub.f32 $1.000000000e+00, v43  }
0x105: {  	v51 =	vmul.u32 $0xD0, v46;
	v52 =	vadd.s32 $0x1, v50;
	v44 =	vcvt.s32.f32 v44  }
0x106: {  	[tilespmem:$0x1FFA0] =	vst v3;
	v3 =	vand.u32 $0x7, v50;
	v13 =	vmul.f32 v53, v13;
	v18 =	vmul.f32 v43, v18  }
0x107: {  	v19 =	vadd.s32 $0x1, v16;
	v27 =	vmul.f32 v53, v27;
	v49 =	vmul.f32 v43, v49  }
0x108: {  	v57 =	vand.u32 $0xFFFFFFF8, v52;
	v60 =	vand.u32 $0xFFFFFFF8, v16;
	v21 =	vadd.s32 $0xD0, v12  }
0x109: {  	v56 =	vadd.s32 $0xD0, v51;
	v13 =	vadd.f32 v13, v18;
	v18 =	vadd.f32 v27, v49  }
0x10a: {  	v26 =	vand.u32 $0xFFFFFFF8, v19;
	v63 =	vadd.s32 v61, v56;
	v56 =	vadd.s32 v58, v56  }
0x10b: {  	[tilespmem:$0x1FFB0] =	vst v2;
	v2 =	vadd.s32 v26, v12;
	v13 =	vmul.f32 v13, v59;
	v18 =	vmul.f32 v18, v42  }
0x10c: {  	v27 =	vadd.s32 v60, v21;
	v49 =	vand.u32 $0xFFFFFFF8, v50;
	v21 =	vadd.s32 v26, v21  }
0x10d: {  	v62 =	vadd.s32 v49, v54;
	v54 =	vadd.s32 v57, v54;
	v13 =	vadd.f32 v18, v13  }
0x10e: {  	s12 =	sadd.s32 $0x40, s12;
	v49 =	vadd.s32 v49, v47;
	v47 =	vadd.s32 v57, v47;
	v57 =	vand.u32 $0x7, v19  }
0x10f: {  	v60 =	vadd.s32 v60, v12;
	v12 =	vand.u32 $0x7, v16;
	v19 =	vor.u32 v57, v21;
	[tilespmem:s12+$0x10] =	vst v13  }
0x110: {  	v61 =	vadd.s32 v61, v51;
	v51 =	vadd.s32 v58, v51;
	v18 =	vor.u32 v12, v27;
	v58 =	vld.idx.msk [tilespmem:v15+s19+$0x0], $0xffff  }
0x111: {  	[tilespmem:$0x1FF80] =	vst v5;
	v46 =	vcvt.s32.f32 v46;
	v52 =	vand.u32 $0x7, v52;
	v27 =	vor.u32 v57, v2;
	v5 =	vld.idx.msk [tilespmem:v14+s19+$0x0], $0xffff  }
0x112: {  	v38 =	vsub.f32 v38, v44;
	v13 =	vor.u32 v4, v63;
	v14 =	vor.u32 v52, v54;
	v54 =	vld.idx.msk [tilespmem:v17+s19+$0x0], $0xffff  }
0x113: {  	v26 =	vor.u32 v12, v60;
	v2 =	vcvt.s32.f32 v16;
	v15 =	vor.u32 v3, v62;
	v60 =	vld.idx.msk [tilespmem:v20+s19+$0x0], $0xffff  }
0x114: {  	v21 =	vor.u32 v3, v49;
	v49 =	vmul.f32 v36, v11;
	v36 =	vsub.f32 v41, v46;
	v63 =	vld.idx.msk [tilespmem:v19+s3+$0x0], $0xffff  }
0x115: {  	v12 =	vor.u32 v55, v56;
	v16 =	vor.u32 v55, v51;
	v2 =	vsub.f32 v34, v2;
	v3 =	vld.idx.msk [tilespmem:v18+s3+$0x0], $0xffff  }
0x116: {  	v17 =	vor.u32 v4, v61;
	v4 =	vcvt.s32.f32 v50;
	v62 =	vcvt.s32.f32 v48;
	v61 =	vld.idx.msk [tilespmem:v27+s3+$0x0], $0xffff  }
0x117: {  	v20 =	vor.u32 v52, v47;
	v52 =	vld.idx.msk [tilespmem:v13+s3+$0x0], $0xffff;
	v57 =	vmul.f32 v58, v53;
	v5 =	vmul.f32 v5, v43  }
0x118: {  	v37 =	vsub.f32 v37, v4;
	v4 =	vld.idx.msk [tilespmem:v15+s3+$0x0], $0xffff;
	v58 =	vmul.f32 v54, v53;
	v43 =	vmul.f32 v60, v43  }
0x119: {  	v47 =	vsub.f32 $1.000000000e+00, v2;
	v34 =	vsub.f32 v40, v62;
	v50 =	vld.idx.msk [tilespmem:v14+s3+$0x0], $0xffff  }
0x11a: {  	v28 =	vmul.f32 v28, v9;
	v53 =	vld.idx.msk [tilespmem:v12+s3+$0x0], $0xffff;
	v5 =	vadd.f32 v5, v57;
	v43 =	vadd.f32 v43, v58  }
0x11b: {  	v40 =	vsub.f32 $1.000000000e+00, v34;
	v62 =	vmul.f32 v2, v63;
	v63 =	vld.idx.msk [tilespmem:v21+s3+$0x0], $0xffff;
	v3 =	vmul.f32 v47, v3  }
0x11c: {  	v51 =	vsub.f32 $1.000000000e+00, v37;
	v60 =	vld.idx.msk [tilespmem:v26+s3+$0x0], $0xffff;
	v5 =	vmul.f32 v5, v59;
	v42 =	vmul.f32 v43, v42  }
0x11d: {  	v55 =	vld.idx.msk [tilespmem:v16+s3+$0x0], $0xffff;
	v3 =	vadd.f32 v3, v62;
	v52 =	vmul.f32 v40, v52;
	v62 =	vmul.f32 v31, v11  }
0x11e: {  	v41 =	vsub.f32 $1.000000000e+00, v38;
	v57 =	vld.idx.msk [tilespmem:v20+s3+$0x0], $0xffff;
	v4 =	vmul.f32 v51, v4;
	v58 =	vmul.f32 v37, v50  }
0x11f: {  	v31 =	vmul.f32 v33, v10;
	v33 =	vmul.f32 v30, v1;
	v5 =	vadd.f32 v42, v5  }
0x120: {  	s13 =	smov.u32 s14;
	s14 =	sadd.s32 $0x40, s14;
	v59 =	vld.idx.msk [tilespmem:v17+s3+$0x0], $0xffff;
	v53 =	vmul.f32 v34, v53;
	v48 =	vmul.f32 v51, v63;
	v4 =	vadd.f32 v4, v58  }
0x121: {  	s0 =	sadd.s32 $0x4, s0;
	v43 =	vsub.f32 $1.000000000e+00, v36;
	[tilespmem:s14+$0x10] =	vst v5;
	v5 =	vmul.f32 v47, v60;
	v60 =	vmul.f32 v2, v61  }
0x122: {  	p1 =	slt.u32 s0, $0x11C;
	v63 =	vmul.f32 v34, v55;
	v45 =	vmul.f32 v4, v39;
	v4 =	vadd.f32 v52, v53  }
.Ltmp6:
0x123: {  	v3 =	vmul.f32 v3, v38;
	v46 =	vmul.f32 v37, v57;
	v5 =	vadd.f32 v5, v60;
	(pc) =	sbr.rel @p1 .LBB2_8-.Ltmp6, $4  }
0x124: {  	v42 =	vsub.f32 $1.000000000e+00, v39;
	v61 =	vmul.f32 v32, v9;
	v32 =	vmul.f32 v4, v36  }
0x125: {  	v11 =	vmovc v47;
	v46 =	vadd.f32 v48, v46;
	v4 =	vmul.f32 v40, v59;
	v5 =	vmul.f32 v5, v41  }
0x126: {  	v30 =	vmul.f32 v35, v10;
	v10 =	vmovc v51;
	v28 =	vadd.f32 v28, v62;
	v44 =	vadd.f32 v61, v49  }
0x127: {  	s15 =	sadd.s32 $0x40, s15;
	v9 =	vmovc v2;
	v47 =	vmul.f32 v46, v42;
	v46 =	vadd.f32 v4, v63;
	v48 =	vadd.f32 v3, v5  }
0x128: {  	_ =	sdelay $0x2  }
0x129: {  	[tilespmem:s12+$0xFFFFFFE0] =	vst v48  }
0x12a: {  	v2 =	vld.idx.msk [tilespmem:v26+s19+$0x0], $0xffff  }
0x12b: {  	v3 =	vadd.f32 v45, v47;
	v4 =	vld.idx.msk [tilespmem:v27+s19+$0x0], $0xffff  }
0x12c: {  	v5 =	vld.idx.msk [tilespmem:v18+s19+$0x0], $0xffff;
	v18 =	vmul.f32 v46, v43  }
0x12d: {  	[tilespmem:s12+$0xFFFFFFF0] =	vst v3;
	v3 =	vld.idx.msk [tilespmem:v19+s19+$0x0], $0xffff  }
0x12e: {  	v1 =	vmul.f32 v24, v1;
	v19 =	vld.idx.msk [tilespmem:v21+s19+$0x0], $0xffff;
	v18 =	vadd.f32 v32, v18  }
0x12f: {  	v24 =	vmul.f32 v29, v0;
	v21 =	vmul.f32 v25, v6;
	v20 =	vld.idx.msk [tilespmem:v20+s19+$0x0], $0xffff  }
0x130: {  	v0 =	vmul.f32 v23, v0;
	v6 =	vmul.f32 v22, v6;
	v15 =	vld.idx.msk [tilespmem:v15+s19+$0x0], $0xffff;
	[tilespmem:s12+$0x0] =	vst v18  }
0x131: {  	v18 =	vadd.f32 v24, v21;
	v21 =	vld [tilespmem:$0x1FF80]  }
0x132: {  	v25 =	vadd.f32 v33, v31;
	v0 =	vadd.f32 v0, v6;
	v6 =	vld.idx.msk [tilespmem:v17+s19+$0x0], $0xffff  }
0x133: {  	v17 =	vld [tilespmem:$0x1FF90]  }
0x134: {  	v22 =	vmul.f32 v25, v7;
	v16 =	vld.idx.msk [tilespmem:v16+s19+$0x0], $0xffff  }
0x135: {  	v7 =	vld [tilespmem:$0x1FFB0];
	v2 =	vmul.f32 v2, v11;
	v4 =	vmul.f32 v4, v9  }
0x136: {  	v8 =	vmul.f32 v44, v8;
	v13 =	vld.idx.msk [tilespmem:v13+s19+$0x0], $0xffff  }
0x137: {  	v12 =	vld.idx.msk [tilespmem:v12+s19+$0x0], $0xffff;
	v5 =	vmul.f32 v5, v11;
	v3 =	vmul.f32 v3, v9;
	v2 =	vadd.f32 v4, v2  }
0x138: {  	v1 =	vadd.f32 v1, v30;
	v14 =	vld.idx.msk [tilespmem:v14+s19+$0x0], $0xffff;
	v9 =	vmul.f32 v19, v10;
	v11 =	vmul.f32 v20, v37  }
0x139: {  	v2 =	vmul.f32 v2, v41;
	v21 =	vmul.f32 v28, v21  }
0x13a: {  	v1 =	vmul.f32 v1, v17;
	v17 =	vmul.f32 v18, v7;
	v18 =	vld [tilespmem:$0x1FFA0]  }
0x13b: {  	v3 =	vadd.f32 v3, v5;
	v4 =	vmul.f32 v6, v40;
	v6 =	vmul.f32 v16, v34  }
0x13c: {  	v9 =	vadd.f32 v11, v9;
	v5 =	vmul.f32 v13, v40;
	v12 =	vmul.f32 v12, v34  }
0x13d: {  	v7 =	vmul.f32 v15, v10;
	v10 =	vmul.f32 v14, v37;
	v1 =	vadd.f32 v1, v22  }
0x13e: {  	v3 =	vmul.f32 v3, v38;
	v4 =	vadd.f32 v6, v4;
	v5 =	vadd.f32 v12, v5  }
0x13f: {  	v8 =	vadd.f32 v21, v8;
	v7 =	vadd.f32 v10, v7;
	v0 =	vmul.f32 v0, v18  }
0x140: {  	[tilespmem:s13+$0xFFFFFFF0] =	vst v1;
	v1 =	vadd.f32 v3, v2;
	v2 =	vmul.f32 v4, v43;
	v3 =	vmul.f32 v5, v36  }
0x141: {  	v6 =	vmul.f32 v9, v42;
	[tilespmem:s13+$0xFFFFFFE0] =	vst v8;
	v7 =	vmul.f32 v7, v39;
	v0 =	vadd.f32 v0, v17  }
0x142: {  	[tilespmem:s14+$0xFFFFFFE0] =	vst v1;
	v1 =	vadd.f32 v3, v2  }
0x143: {  	s0 =	sadd.s32 s2, s9;
	[tilespmem:s13+$0x0] =	vst v0;
	v0 =	vadd.f32 v7, v6  }
0x144: {  	s0 =	sshrl.u32 s0, $0x3;
	[tilespmem:s14+$0x0] =	vst v1  }
0x145: {  	s11 =	sadd.s32 s8, s9;
	s0 =	sadd.s32 s7, s0;
	[tilespmem:s14+$0xFFFFFFF0] =	vst v0  }
0x146: {  	[hbm4b:s0+s3] =	stream.linear.scatter [tilespmem:s26], [sflag:$0x5], $0x1200, $0x38;
	[tilespmem:$0x1CB40] =	vst v63  }
0x147: {  	s0 =	sshrl.u32 s11, $0x3  }
0x148: {  	p1 =	seq.s32 s10, $0xF;
	s0 =	sadd.s32 s7, s0  }
0x149: {  	[hbm4b:s0+s3] =	stream.linear.scatter [tilespmem:s28], [sflag:$0x7], $0x1200, $0x38;
	[tilespmem:$0x1CB40] =	vst v63  }
0x14a: {  	s0 =	sadd.s32 @!p1 s16, s9  }
0x14b: {  	s0 =	sshrl.u32 @!p1 s0, $0x3  }
0x14c: {  	s12 =	simm.s32 @!p1 $0x13B40;
	s11 =	simm.s32 @!p1 $0x0;
	s6 =	sadd.s32 @!p1 s4, s0  }
0x14d: {  	[tilespmem:s12], [sflag:$0x1] =	stream.linear.gather @!p1 [hbm4b:s6+s11], $0x1200, $0x38;
	[tilespmem:$0x1CB40] =	vst v63  }
0x14e: {  	s0 =	sadd.s32 @!p1 s5, s0;
	s6 =	simm.s32 @!p1 $0x15F40  }
0x14f: {  	[tilespmem:s6], [sflag:$0x3] =	stream.linear.gather @!p1 [hbm4b:s0+s11], $0x1200, $0x38;
	[tilespmem:$0x1CB40] =	vst v63  }
0x150: {  	_ =	swait.ge [sflag:s29], $0x1200  }
0x151: {  	[sflag:s29] =	ssyncset.done $0x0  }
0x152: {  	[sflag:s29] =	ssyncadd.s32 $0xFFFFEE00  }
0x153: {  	_ =	swait.ge [sflag:s30], $0x1200  }
0x154: {  	[sflag:s30] =	ssyncset.done $0x0  }
0x155: {  	s0 =	simm.s32 @!p0 $0x6;
	[sflag:s30] =	ssyncadd.s32 $0xFFFFEE00  }
0x156: {  	_ =	swait.ge @!p0 [sflag:s0], $0x1200  }
0x157: {  	[sflag:s0] =	ssyncset.done @!p0 $0x0  }
0x158: {  	[sflag:s0] =	ssyncadd.s32 @!p0 $0xFFFFEE00;
	s0 =	simm.s32 @!p0 $0x8  }
0x159: {  	_ =	swait.ge @!p0 [sflag:s0], $0x1200  }
0x15a: {  	[sflag:s0] =	ssyncset.done @!p0 $0x0  }
0x15b: {  	s12 =	simm.s32 $0x17170;
	[sflag:s0] =	ssyncadd.s32 @!p0 $0xFFFFEE00  }
0x15c: {  	s13 =	simm.s32 $0x14D70;
	v0 =	vld [tilespmem:s12+$0x0]  }
0x15d: {  	v1 =	vld [tilespmem:s13+$0x0]  }
0x15e: {  	v2 =	vld [tilespmem:s12+$0xFFFFFFD0]  }
0x15f: {  	v3 =	vld [tilespmem:s12+$0xFFFFFFE0]  }
0x160: {  	v4 =	vld [tilespmem:s12+$0xFFFFFFF0]  }
0x161: {  	v8 =	vld [tilespmem:s13+$0xFFFFFFE0]  }
0x162: {  	v10 =	vld [tilespmem:s13+$0xFFFFFFD0]  }
0x163: {  	v9 =	vld [tilespmem:s13+$0xFFFFFFF0]  }
0x164: {  	v0 =	vmul.f32 $1.920000000e+02, v0  }
0x165: {  	v1 =	vmul.f32 $1.920000000e+02, v1;
	v2 =	vmul.f32 $1.920000000e+02, v2  }
0x166: {  	v5 =	vmul.f32 $1.920000000e+02, v3;
	v4 =	vmul.f32 $1.920000000e+02, v4;
	v0 =	vadd.f32 $5.000000000e-01, v0  }
0x167: {  	v8 =	vmul.f32 $1.920000000e+02, v8;
	v10 =	vmul.f32 $1.920000000e+02, v10;
	v1 =	vadd.f32 $7.500000000e+00, v1  }
0x168: {  	v9 =	vmul.f32 $1.920000000e+02, v9;
	v3 =	vtrunc.f32 v0  }
0x169: {  	v6 =	vtrunc.f32 v1;
	v7 =	vcvt.f32.s32 v3  }
0x16a: {  	v8 =	vadd.f32 $7.500000000e+00, v8;
	v19 =	vadd.f32 $7.500000000e+00, v9;
	v6 =	vcvt.f32.s32 v6  }
0x16b: {  	v3 =	vadd.f32 $5.000000000e-01, v2;
	v2 =	vadd.f32 $5.000000000e-01, v5;
	v5 =	vmul.u32 $0xD0, v7  }
0x16c: {  	v11 =	vadd.s32 $0x1, v6;
	v12 =	vand.u32 $0xFFFFFFF8, v6;
	v13 =	vand.u32 $0x7, v6  }
0x16d: {  	v15 =	vand.u32 $0xFFFFFFF8, v11;
	v11 =	vand.u32 $0x7, v11;
	v14 =	vadd.s32 v12, v5  }
0x16e: {  	v16 =	vadd.s32 v15, v5;
	v17 =	vadd.s32 $0xD0, v5;
	v14 =	vor.u32 v13, v14  }
0x16f: {  	v22 =	vtrunc.f32 v8;
	v16 =	vor.u32 v11, v16;
	v12 =	vadd.s32 v12, v17  }
0x170: {  	v5 =	vadd.f32 $5.000000000e-01, v4;
	v4 =	vor.u32 v13, v12;
	v12 =	vadd.s32 v15, v17  }
0x171: {  	v24 =	vtrunc.f32 v19;
	v26 =	vcvt.f32.s32 v22;
	v12 =	vor.u32 v11, v12  }
0x172: {  	v6 =	vcvt.s32.f32 v6;
	v11 =	vtrunc.f32 v3  }
0x173: {  	v13 =	vtrunc.f32 v2;
	v17 =	vcvt.f32.s32 v11;
	v11 =	vld.idx.msk [tilespmem:v14+s3+$0x0], $0xffff  }
0x174: {  	v15 =	vadd.f32 $7.500000000e+00, v10;
	v10 =	vtrunc.f32 v5;
	v18 =	vcvt.f32.s32 v13;
	v13 =	vld.idx.msk [tilespmem:v16+s3+$0x0], $0xffff  }
0x175: {  	v28 =	vcvt.f32.s32 v24;
	v20 =	vcvt.f32.s32 v10;
	v10 =	vld.idx.msk [tilespmem:v4+s3+$0x0], $0xffff  }
0x176: {  	v7 =	vcvt.s32.f32 v7;
	v6 =	vsub.f32 v1, v6;
	v23 =	vld.idx.msk [tilespmem:v12+s3+$0x0], $0xffff  }
0x177: {  	v25 =	vadd.s32 $0x1, v26;
	v30 =	vadd.s32 $0x1, v28;
	v57 =	vand.u32 $0xFFFFFFF8, v26  }
0x178: {  	v58 =	vand.u32 $0xFFFFFFF8, v28;
	v63 =	vand.u32 $0x7, v26;
	v27 =	vsub.f32 $1.000000000e+00, v6  }
0x179: {  	v55 =	vand.u32 $0xFFFFFFF8, v25;
	v35 =	vand.u32 $0xFFFFFFF8, v30;
	v9 =	vtrunc.f32 v15  }
0x17a: {  	v7 =	vsub.f32 v0, v7;
	v0 =	vmul.f32 v27, v11;
	v11 =	vmul.f32 v6, v13  }
0x17b: {  	v45 =	vand.u32 $0x7, v25;
	v10 =	vmul.f32 v27, v10;
	v23 =	vmul.f32 v6, v23  }
0x17c: {  	v54 =	vsub.f32 $1.000000000e+00, v7;
	v1 =	vcvt.f32.s32 v9;
	v9 =	vmul.u32 $0xD0, v18  }
0x17d: {  	v21 =	vmul.u32 $0xD0, v17;
	v0 =	vadd.f32 v0, v11;
	v10 =	vadd.f32 v10, v23  }
0x17e: {  	v22 =	vadd.s32 $0x1, v1;
	v29 =	vadd.s32 $0xD0, v9;
	v56 =	vand.u32 $0xFFFFFFF8, v1  }
0x17f: {  	v60 =	vand.u32 $0x7, v1;
	v0 =	vmul.f32 v0, v54;
	v10 =	vmul.f32 v10, v7  }
0x180: {  	v24 =	vadd.s32 $0xD0, v21;
	v31 =	vand.u32 $0xFFFFFFF8, v22;
	v59 =	vadd.s32 v57, v29  }
0x181: {  	v29 =	vadd.s32 v55, v29;
	v13 =	vmul.u32 $0xD0, v20;
	v0 =	vadd.f32 v10, v0  }
0x182: {  	s14 =	simm.s32 $0x19570;
	v62 =	vand.u32 $0x7, v22;
	v25 =	vor.u32 v63, v59;
	v11 =	vadd.s32 v56, v24  }
0x183: {  	v24 =	vadd.s32 v31, v24;
	v11 =	vor.u32 v60, v11;
	v23 =	vadd.s32 $0xD0, v13;
	[tilespmem:s14+$0x0] =	vst v0  }
0x184: {  	v61 =	vadd.s32 v58, v23;
	v10 =	vor.u32 v62, v24;
	v24 =	vor.u32 v45, v29;
	v14 =	vld.idx.msk [tilespmem:v14+s19+$0x0], $0xffff  }
0x185: {  	v0 =	vadd.s32 v56, v21;
	v21 =	vadd.s32 v31, v21;
	v31 =	vand.u32 $0x7, v28;
	v16 =	vld.idx.msk [tilespmem:v16+s19+$0x0], $0xffff;
	[tilespmem:$0x1FF40] =	vst v25  }
0x186: {  	v30 =	vand.u32 $0x7, v30;
	v23 =	vadd.s32 v35, v23;
	[tilespmem:$0x1FF50] =	vst v24;
	v22 =	vor.u32 v31, v61  }
0x187: {  	v23 =	vor.u32 v30, v23;
	v29 =	vadd.s32 v57, v9;
	v4 =	vld.idx.msk [tilespmem:v4+s19+$0x0], $0xffff;
	[tilespmem:$0x1FF60] =	vst v22  }
0x188: {  	v32 =	vadd.s32 v55, v9;
	v9 =	vor.u32 v63, v29;
	v46 =	vld.idx.msk [tilespmem:v12+s19+$0x0], $0xffff;
	[tilespmem:$0x1FF70] =	vst v23  }
0x189: {  	v32 =	vor.u32 v45, v32;
	v47 =	vld.idx.msk [tilespmem:v11+s3+$0x0], $0xffff  }
0x18a: {  	v12 =	vor.u32 v62, v21;
	v21 =	vld.idx.msk [tilespmem:v10+s3+$0x0], $0xffff  }
0x18b: {  	v18 =	vcvt.s32.f32 v18;
	v37 =	vadd.s32 v58, v13;
	v35 =	vadd.s32 v35, v13;
	v48 =	vld.idx.msk [tilespmem:v25+s3+$0x0], $0xffff  }
0x18c: {  	v13 =	vor.u32 v60, v0;
	v0 =	vcvt.s32.f32 v1;
	v1 =	vcvt.s32.f32 v26;
	v26 =	vld.idx.msk [tilespmem:v24+s3+$0x0], $0xffff  }
0x18d: {  	v2 =	vsub.f32 v2, v18;
	v29 =	vor.u32 v30, v35;
	v30 =	vcvt.s32.f32 v28;
	v49 =	vld.idx.msk [tilespmem:v9+s3+$0x0], $0xffff  }
0x18e: {  	v28 =	vsub.f32 v15, v0;
	v15 =	vcvt.s32.f32 v17;
	v1 =	vsub.f32 v8, v1;
	v50 =	vld.idx.msk [tilespmem:v32+s3+$0x0], $0xffff  }
0x18f: {  	v0 =	vsub.f32 v19, v30;
	v17 =	vld.idx.msk [tilespmem:v22+s3+$0x0], $0xffff;
	v8 =	vmul.f32 v14, v27;
	v14 =	vmul.f32 v16, v6  }
0x190: {  	v25 =	vor.u32 v31, v37;
	v16 =	vld.idx.msk [tilespmem:v23+s3+$0x0], $0xffff;
	v4 =	vmul.f32 v4, v27;
	v6 =	vmul.f32 v46, v6  }
0x191: {  	v20 =	vcvt.s32.f32 v20;
	v33 =	vsub.f32 $1.000000000e+00, v28;
	v30 =	vsub.f32 $1.000000000e+00, v1;
	v19 =	vld.idx.msk [tilespmem:v13+s3+$0x0], $0xffff  }
0x192: {  	v8 =	vadd.f32 v14, v8;
	v14 =	vld.idx.msk [tilespmem:v12+s3+$0x0], $0xffff;
	v18 =	vmul.f32 v1, v26;
	v27 =	vadd.f32 v6, v4  }
0x193: {  	s11 =	simm.s32 $0x14DB0;
	v26 =	vld.idx.msk [tilespmem:v29+s3+$0x0], $0xffff;
	v4 =	vsub.f32 v3, v15;
	v15 =	vmul.f32 v33, v47;
	v6 =	vsub.f32 $1.000000000e+00, v0  }
0x194: {  	v3 =	vsub.f32 v5, v20;
	v20 =	vld [tilespmem:s11+$0x0];
	v27 =	vmul.f32 v27, v7;
	v7 =	vmul.f32 v28, v21  }
0x195: {  	s15 =	simm.s32 $0x171B0;
	v34 =	vmul.f32 v8, v54;
	v8 =	vmul.f32 v30, v48;
	v21 =	vld.idx.msk [tilespmem:v25+s3+$0x0], $0xffff  }
0x196: {  	v35 =	vmul.f32 v30, v49;
	v5 =	vadd.f32 v15, v7;
	v15 =	vmul.f32 v6, v17;
	v17 =	vld [tilespmem:s15+$0x0]  }
0x197: {  	v19 =	vmul.f32 v33, v19;
	v18 =	vadd.f32 v8, v18;
	v14 =	vmul.f32 v28, v14  }
0x198: {  	v36 =	vmul.f32 v1, v50;
	v16 =	vmul.f32 v0, v16  }
0x199: {  	v8 =	vsub.f32 $1.000000000e+00, v4;
	v18 =	vmul.f32 v18, v2;
	v14 =	vadd.f32 v19, v14  }
0x19a: {  	v20 =	vmul.f32 $1.920000000e+02, v20;
	v15 =	vadd.f32 v15, v16;
	v16 =	vmul.f32 v0, v26  }
0x19b: {  	[tilespmem:$0x1FF00] =	vst v4;
	v19 =	vadd.f32 v35, v36;
	v21 =	vmul.f32 v6, v21;
	v17 =	vmul.f32 $1.920000000e+02, v17  }
0x19c: {  	[tilespmem:$0x1FF10] =	vst v2;
	v51 =	vmul.f32 v5, v4;
	v4 =	vsub.f32 $1.000000000e+00, v2;
	v2 =	vsub.f32 $1.000000000e+00, v3  }
0x19d: {  	v26 =	vld [tilespmem:s15+$0xFFFFFFD0];
	v16 =	vadd.f32 v21, v16;
	v17 =	vadd.f32 $5.000000000e-01, v17  }
0x19e: {  	v20 =	vadd.f32 $7.500000000e+00, v20;
	v15 =	vmul.f32 v15, v3;
	v19 =	vmul.f32 v19, v4  }
0x19f: {  	v35 =	vadd.f32 v27, v34;
	v16 =	vmul.f32 v16, v2;
	v27 =	vtrunc.f32 v17  }
0x1a0: {  	[tilespmem:$0x1FF20] =	vst v3;
	v52 =	vtrunc.f32 v20;
	v27 =	vcvt.f32.s32 v27  }
0x1a1: {  	v21 =	vld [tilespmem:s15+$0xFFFFFFE0];
	[tilespmem:$0x1FF30] =	vst v2;
	v42 =	vadd.f32 v15, v16;
	v16 =	vcvt.f32.s32 v52  }
0x1a2: {  	v19 =	vadd.f32 v18, v19;
	v18 =	vld [tilespmem:s11+$0xFFFFFFE0];
	v26 =	vmul.f32 $1.920000000e+02, v26;
	v53 =	vmul.u32 $0xD0, v27  }
0x1a3: {  	v15 =	vld [tilespmem:s15+$0xFFFFFFF0];
	v55 =	vadd.s32 $0x1, v16;
	v56 =	vand.u32 $0xFFFFFFF8, v16;
	v57 =	vand.u32 $0x7, v16  }
0x1a4: {  	v54 =	vld [tilespmem:s11+$0xFFFFFFD0];
	v60 =	vand.u32 $0xFFFFFFF8, v55;
	v37 =	vand.u32 $0x7, v55;
	v59 =	vadd.s32 v56, v53  }
0x1a5: {  	v58 =	vld [tilespmem:s11+$0xFFFFFFF0];
	v61 =	vadd.s32 v60, v53;
	v34 =	vadd.s32 $0xD0, v53;
	v41 =	vor.u32 v57, v59  }
0x1a6: {  	v45 =	vadd.f32 $5.000000000e-01, v26;
	v26 =	vor.u32 v37, v61;
	v38 =	vadd.s32 v56, v34  }
0x1a7: {  	v21 =	vmul.f32 $1.920000000e+02, v21;
	v34 =	vadd.s32 v60, v34;
	v38 =	vor.u32 v57, v38  }
0x1a8: {  	v14 =	vmul.f32 v14, v8;
	v15 =	vmul.f32 $1.920000000e+02, v15;
	v34 =	vor.u32 v37, v34  }
0x1a9: {  	v18 =	vmul.f32 $1.920000000e+02, v18;
	v16 =	vcvt.s32.f32 v16;
	v39 =	vadd.f32 $5.000000000e-01, v21  }
0x1aa: {  	v21 =	vmul.f32 $1.920000000e+02, v54;
	v36 =	vadd.f32 $5.000000000e-01, v15;
	v15 =	vmul.f32 $1.920000000e+02, v58;
	v63 =	vld.idx.msk [tilespmem:v41+s3+$0x0], $0xffff  }
0x1ab: {  	v27 =	vcvt.s32.f32 v27;
	v44 =	vadd.f32 $7.500000000e+00, v18;
	v50 =	vsub.f32 v20, v16;
	v60 =	vld.idx.msk [tilespmem:v26+s3+$0x0], $0xffff  }
0x1ac: {  	v62 =	vtrunc.f32 v39;
	v18 =	vtrunc.f32 v36;
	v47 =	vadd.f32 $7.500000000e+00, v15;
	v15 =	vld.idx.msk [tilespmem:v38+s3+$0x0], $0xffff  }
0x1ad: {  	v14 =	vadd.f32 v51, v14;
	v40 =	vcvt.f32.s32 v62;
	v49 =	vcvt.f32.s32 v18;
	v18 =	vld.idx.msk [tilespmem:v34+s3+$0x0], $0xffff  }
0x1ae: {  	v20 =	vtrunc.f32 v44;
	v52 =	vsub.f32 $1.000000000e+00, v50;
	v37 =	vadd.f32 $7.500000000e+00, v21  }
0x1af: {  	v56 =	vsub.f32 v17, v27;
	v21 =	vtrunc.f32 v45;
	v54 =	vcvt.f32.s32 v20  }
0x1b0: {  	v48 =	vcvt.f32.s32 v21;
	v53 =	vmul.u32 $0xD0, v40;
	v21 =	vtrunc.f32 v37  }
0x1b1: {  	v46 =	vsub.f32 $1.000000000e+00, v56;
	v17 =	vmul.f32 v52, v63;
	v20 =	vmul.f32 v50, v60  }
0x1b2: {  	v57 =	vadd.s32 $0x1, v54;
	v15 =	vmul.f32 v52, v15;
	v18 =	vmul.f32 v50, v18  }
0x1b3: {  	v16 =	vmul.u32 $0xD0, v48;
	v51 =	vcvt.f32.s32 v21;
	v21 =	vtrunc.f32 v47  }
0x1b4: {  	v55 =	vcvt.f32.s32 v21;
	v17 =	vadd.f32 v17, v20;
	v15 =	vadd.f32 v15, v18  }
0x1b5: {  	v21 =	vadd.s32 $0x1, v51;
	v27 =	vadd.s32 $0xD0, v16;
	v43 =	vmul.u32 $0xD0, v49  }
0x1b6: {  	v62 =	vand.u32 $0xFFFFFFF8, v51;
	v17 =	vmul.f32 v17, v46;
	v15 =	vmul.f32 v15, v56  }
0x1b7: {  	[tilespmem:s14+$0xFFFFFFD0] =	vst v14;
	v49 =	vcvt.s32.f32 v49;
	v59 =	vand.u32 $0xFFFFFFF8, v21;
	v21 =	vand.u32 $0x7, v21  }
0x1b8: {  	v23 =	vld.idx.msk [tilespmem:v13+s19+$0x0], $0xffff;
	[tilespmem:s14+$0xFFFFFFE0] =	vst v19;
	v58 =	vadd.s32 $0xD0, v43;
	v14 =	vand.u32 $0xFFFFFFF8, v55;
	v15 =	vadd.f32 v15, v17  }
0x1b9: {  	s12 =	simm.s32 $0x195B0;
	v24 =	vld.idx.msk [tilespmem:v12+s19+$0x0], $0xffff;
	[tilespmem:s14+$0xFFFFFFF0] =	vst v42;
	v12 =	vadd.s32 v14, v58;
	v60 =	vand.u32 $0xFFFFFFF8, v57;
	v63 =	vadd.s32 v62, v27  }
0x1ba: {  	v27 =	vadd.s32 v59, v27;
	v62 =	vadd.s32 v62, v16;
	v16 =	vadd.s32 v59, v16;
	[tilespmem:s12+$0x0] =	vst v15  }
0x1bb: {  	v57 =	vand.u32 $0x7, v57;
	v20 =	vadd.s32 $0x1, v55;
	v18 =	vadd.s32 $0xD0, v53;
	v2 =	vld [tilespmem:$0x1FF40]  }
0x1bc: {  	v31 =	vld.idx.msk [tilespmem:v10+s19+$0x0], $0xffff;
	v61 =	vand.u32 $0xFFFFFFF8, v20;
	v59 =	vadd.s32 v60, v18;
	v17 =	vand.u32 $0xFFFFFFF8, v54  }
0x1bd: {  	v13 =	vadd.s32 v17, v18;
	v17 =	vadd.s32 v17, v53;
	v53 =	vadd.s32 v60, v53;
	v60 =	vld.idx.msk [tilespmem:v11+s19+$0x0], $0xffff  }
0x1be: {  	v11 =	vadd.s32 v61, v58;
	v58 =	vadd.s32 v14, v43;
	v14 =	vor.u32 v57, v59;
	v59 =	vld.idx.msk [tilespmem:v9+s19+$0x0], $0xffff  }
0x1bf: {  	v36 =	vsub.f32 v36, v49;
	v19 =	vor.u32 v21, v27;
	v41 =	vld.idx.msk [tilespmem:v41+s19+$0x0], $0xffff  }
0x1c0: {  	v10 =	vadd.s32 v61, v43;
	v43 =	vand.u32 $0x7, v51;
	v61 =	vand.u32 $0x7, v20;
	v22 =	vld.idx.msk [tilespmem:v26+s19+$0x0], $0xffff  }
0x1c1: {  	v20 =	vand.u32 $0x7, v54;
	v18 =	vor.u32 v43, v63;
	v63 =	vand.u32 $0x7, v55;
	v38 =	vld.idx.msk [tilespmem:v38+s19+$0x0], $0xffff  }
0x1c2: {  	v15 =	vor.u32 v20, v13;
	v13 =	vor.u32 v63, v12;
	v12 =	vor.u32 v61, v11;
	v11 =	vld.idx.msk [tilespmem:v34+s19+$0x0], $0xffff  }
0x1c3: {  	v27 =	vor.u32 v21, v16;
	v21 =	vor.u32 v20, v17;
	v20 =	vor.u32 v57, v53;
	v49 =	vld.idx.msk [tilespmem:v2+s19+$0x0], $0xffff  }
0x1c4: {  	v2 =	vld [tilespmem:$0x1FF50]  }
0x1c5: {  	v9 =	vcvt.s32.f32 v51;
	v51 =	vld.idx.msk [tilespmem:v19+s3+$0x0], $0xffff;
	v16 =	vor.u32 v61, v10;
	v10 =	vcvt.s32.f32 v54  }
0x1c6: {  	v53 =	vcvt.s32.f32 v40;
	v26 =	vor.u32 v43, v62;
	v17 =	vor.u32 v63, v58;
	v43 =	vld.idx.msk [tilespmem:v18+s3+$0x0], $0xffff  }
0x1c7: {  	v61 =	vcvt.s32.f32 v55;
	v9 =	vsub.f32 v37, v9;
	v37 =	vsub.f32 v44, v10;
	v44 =	vld.idx.msk [tilespmem:v15+s3+$0x0], $0xffff  }
0x1c8: {  	v39 =	vsub.f32 v39, v53;
	v53 =	vld.idx.msk [tilespmem:v20+s3+$0x0], $0xffff;
	v38 =	vmul.f32 v38, v52;
	v63 =	vmul.f32 v11, v50  }
0x1c9: {  	v62 =	vmul.f32 v41, v52;
	v22 =	vmul.f32 v22, v50;
	v41 =	vld.idx.msk [tilespmem:v14+s3+$0x0], $0xffff  }
0x1ca: {  	v34 =	vsub.f32 v47, v61;
	v50 =	vld.idx.msk [tilespmem:v13+s3+$0x0], $0xffff;
	v47 =	vadd.f32 v63, v38  }
0x1cb: {  	s13 =	simm.s32 $0x1B970;
	v57 =	vld.idx.msk [tilespmem:v12+s3+$0x0], $0xffff;
	v22 =	vadd.f32 v22, v62  }
0x1cc: {  	[tilespmem:s13+$0x0] =	vst v35;
	v47 =	vmul.f32 v47, v56;
	v56 =	vmul.f32 v24, v28;
	v24 =	vld.idx.msk [tilespmem:v2+s19+$0x0], $0xffff  }
0x1cd: {  	v11 =	vsub.f32 $1.000000000e+00, v9;
	v2 =	vld [tilespmem:$0x1FF60]  }
0x1ce: {  	v10 =	vsub.f32 $1.000000000e+00, v37;
	v62 =	vmul.f32 v9, v51;
	v51 =	vld.idx.msk [tilespmem:v21+s3+$0x0], $0xffff;
	v22 =	vmul.f32 v22, v46  }
0x1cf: {  	v40 =	vsub.f32 $1.000000000e+00, v34;
	v43 =	vmul.f32 v11, v43  }
0x1d0: {  	v44 =	vmul.f32 v10, v44;
	v63 =	vmul.f32 v37, v41;
	v52 =	vadd.f32 v47, v22;
	v22 =	vld.idx.msk [tilespmem:v16+s3+$0x0], $0xffff  }
0x1d1: {  	v61 =	vld.idx.msk [tilespmem:v27+s3+$0x0], $0xffff;
	v50 =	vmul.f32 v40, v50;
	v57 =	vmul.f32 v34, v57  }
0x1d2: {  	v58 =	vld.idx.msk [tilespmem:v26+s3+$0x0], $0xffff;
	v43 =	vadd.f32 v43, v62;
	v44 =	vadd.f32 v44, v63  }
0x1d3: {  	v62 =	vadd.f32 v50, v57;
	v63 =	vmul.f32 v10, v51;
	v57 =	vmul.f32 v37, v53  }
0x1d4: {  	v48 =	vcvt.s32.f32 v48;
	v55 =	vld.idx.msk [tilespmem:v32+s19+$0x0], $0xffff  }
0x1d5: {  	v32 =	vmul.f32 v62, v36;
	v62 =	vadd.f32 v63, v57;
	v63 =	vmul.f32 v34, v22;
	v22 =	vld.idx.msk [tilespmem:v2+s19+$0x0], $0xffff  }
0x1d6: {  	v23 =	vmul.f32 v23, v33;
	v2 =	vld [tilespmem:$0x1FF70]  }
0x1d7: {  	v38 =	vsub.f32 v45, v48;
	v61 =	vmul.f32 v9, v61;
	v46 =	vld.idx.msk [tilespmem:v17+s3+$0x0], $0xffff;
	v58 =	vmul.f32 v11, v58  }
0x1d8: {  	v33 =	vmul.f32 v60, v33;
	v28 =	vmul.f32 v31, v28  }
0x1d9: {  	v41 =	vsub.f32 $1.000000000e+00, v38;
	v47 =	vadd.f32 v58, v61  }
0x1da: {  	v31 =	vmul.f32 v59, v30;
	v28 =	vadd.f32 v28, v33;
	v33 =	vmul.f32 v55, v1  }
0x1db: {  	v54 =	vmul.f32 v43, v38;
	v61 =	vmul.f32 v47, v41  }
0x1dc: {  	v7 =	vmovc v4;
	v25 =	vld.idx.msk [tilespmem:v25+s19+$0x0], $0xffff;
	v42 =	vsub.f32 $1.000000000e+00, v39;
	v30 =	vmul.f32 v49, v30;
	v58 =	vmul.f32 v40, v46  }
0x1dd: {  	s14 =	simm.s32 $0x1B9B0;
	v29 =	vld.idx.msk [tilespmem:v29+s19+$0x0], $0xffff;
	v45 =	vmul.f32 v44, v39;
	v44 =	vadd.f32 v56, v23;
	v48 =	vadd.f32 v54, v61  }
0x1de: {  	s6 =	simm.s32 $0x171F0;
	s0 =	sadd.s32 $0x1200, s9;
	s15 =	simm.s32 $0x4;
	v43 =	vsub.f32 $1.000000000e+00, v36;
	v47 =	vmul.f32 v62, v42;
	v46 =	vadd.f32 v58, v63;
	[tilespmem:s14+$0x0] =	vst v52;
	v23 =	vld.idx.msk [tilespmem:v2+s19+$0x0], $0xffff  }
.LBB2_10:
0x1df: {  	v2 =	vld [tilespmem:$0x1FF00];
	_ =	sdelay $0x4  }
0x1e0: {  	v28 =	vmul.f32 v28, v2;
	v2 =	vld [tilespmem:$0x1FF10]  }
0x1e1: {  	v24 =	vmul.f32 v24, v1;
	_ =	sdelay $0x1  }
0x1e2: {  	v24 =	vadd.f32 v24, v30;
	_ =	sdelay $0x1  }
0x1e3: {  	v35 =	vld [tilespmem:s6+$0x0];
	v24 =	vmul.f32 v24, v2;
	v2 =	vmov v39  }
0x1e4: {  	s11 =	sadd.s32 $0x40, s11;
	[tilespmem:$0x1FF10] =	vst v2;
	v2 =	vld [tilespmem:$0x1FF30]  }
0x1e5: {  	v25 =	vmul.f32 v25, v6;
	v29 =	vmul.f32 v29, v0;
	[tilespmem:s12+$0xFFFFFFD0] =	vst v48;
	v45 =	vadd.f32 v45, v47;
	v57 =	vld [tilespmem:s11+$0x0]  }
0x1e6: {  	v31 =	vadd.f32 v33, v31;
	v58 =	vld [tilespmem:s6+$0xFFFFFFD0]  }
0x1e7: {  	v3 =	vmul.f32 v22, v6;
	v22 =	vmul.f32 v23, v0;
	v25 =	vadd.f32 v29, v25;
	v29 =	vld [tilespmem:s6+$0xFFFFFFF0];
	[tilespmem:s12+$0xFFFFFFE0] =	vst v45  }
0x1e8: {  	v46 =	vmul.f32 v46, v43;
	v30 =	vmul.f32 v31, v7;
	v23 =	vld [tilespmem:s6+$0xFFFFFFE0]  }
0x1e9: {  	v31 =	vmul.f32 $1.920000000e+02, v35;
	v62 =	vmul.f32 v25, v2;
	v2 =	vld [tilespmem:$0x1FF20]  }
0x1ea: {  	v4 =	vmul.f32 v44, v8;
	v32 =	vadd.f32 v32, v46;
	v59 =	vld [tilespmem:s11+$0xFFFFFFE0]  }
0x1eb: {  	v22 =	vadd.f32 v22, v3;
	v3 =	vmovc v36;
	v36 =	vld.idx.msk [tilespmem:v26+s19+$0x0], $0xffff;
	v61 =	vmul.f32 $1.920000000e+02, v57;
	v63 =	vadd.f32 $5.000000000e-01, v31  }
0x1ec: {  	[tilespmem:s12+$0xFFFFFFF0] =	vst v32;
	v28 =	vadd.f32 v28, v4;
	v33 =	vmul.f32 $1.920000000e+02, v58;
	v25 =	vld [tilespmem:s11+$0xFFFFFFD0]  }
0x1ed: {  	v60 =	vld [tilespmem:s11+$0xFFFFFFF0];
	v57 =	vadd.f32 $7.500000000e+00, v61;
	v26 =	vtrunc.f32 v63  }
0x1ee: {  	v5 =	vmovc v38;
	v38 =	vadd.f32 $5.000000000e-01, v33;
	[tilespmem:s13+$0xFFFFFFD0] =	vst v28;
	v56 =	vmul.f32 v22, v2;
	v22 =	vmul.f32 $1.920000000e+02, v23  }
0x1ef: {  	v26 =	vcvt.f32.s32 v26;
	v31 =	vld.idx.msk [tilespmem:v18+s19+$0x0], $0xffff;
	v18 =	vmul.f32 $1.920000000e+02, v59;
	v23 =	vadd.f32 v24, v30  }
0x1f0: {  	v32 =	vld.idx.msk [tilespmem:v27+s19+$0x0], $0xffff;
	v24 =	vmul.f32 $1.920000000e+02, v29;
	v39 =	vadd.f32 $5.000000000e-01, v22;
	v22 =	vtrunc.f32 v57  }
0x1f1: {  	v1 =	vmovc v37;
	v28 =	vld.idx.msk [tilespmem:v19+s19+$0x0], $0xffff;
	v37 =	vadd.f32 $7.500000000e+00, v18;
	v19 =	vmul.f32 $1.920000000e+02, v25;
	v27 =	vcvt.f32.s32 v22  }
0x1f2: {  	v8 =	vmovc v41;
	[tilespmem:s13+$0xFFFFFFE0] =	vst v23;
	v41 =	vadd.f32 $5.000000000e-01, v24;
	v23 =	vmul.u32 $0xD0, v26;
	v22 =	vmul.f32 $1.920000000e+02, v60  }
0x1f3: {  	v0 =	vmovc v34;
	v34 =	vadd.f32 $7.500000000e+00, v19;
	v26 =	vcvt.s32.f32 v26;
	v33 =	vld.idx.msk [tilespmem:v21+s19+$0x0], $0xffff;
	v21 =	vadd.s32 $0x1, v27  }
0x1f4: {  	v6 =	vmovc v40;
	v30 =	vld.idx.msk [tilespmem:v20+s19+$0x0], $0xffff;
	v25 =	vand.u32 $0xFFFFFFF8, v27;
	v29 =	vand.u32 $0x7, v27;
	v40 =	vadd.f32 $7.500000000e+00, v22  }
0x1f5: {  	v22 =	vld.idx.msk [tilespmem:v13+s19+$0x0], $0xffff;
	v13 =	vtrunc.f32 v39;
	v20 =	vadd.s32 v25, v23;
	v58 =	vand.u32 $0xFFFFFFF8, v21  }
0x1f6: {  	v35 =	vld.idx.msk [tilespmem:v15+s19+$0x0], $0xffff;
	v21 =	vand.u32 $0x7, v21;
	v45 =	vcvt.f32.s32 v13;
	v15 =	vor.u32 v29, v20  }
0x1f7: {  	v20 =	vadd.s32 v58, v23;
	v23 =	vadd.s32 $0xD0, v23;
	v59 =	vtrunc.f32 v40  }
0x1f8: {  	v24 =	vld.idx.msk [tilespmem:v14+s19+$0x0], $0xffff;
	v14 =	vor.u32 v21, v20;
	v19 =	vadd.s32 v25, v23;
	v18 =	vadd.s32 v58, v23  }
0x1f9: {  	v25 =	vld.idx.msk [tilespmem:v17+s19+$0x0], $0xffff;
	v47 =	vmul.u32 $0xD0, v45;
	v48 =	vcvt.f32.s32 v59;
	v17 =	vor.u32 v29, v19  }
0x1fa: {  	v45 =	vcvt.s32.f32 v45;
	v29 =	vld.idx.msk [tilespmem:v16+s19+$0x0], $0xffff;
	v16 =	vtrunc.f32 v38;
	v20 =	vor.u32 v21, v18  }
0x1fb: {  	v7 =	vmovc v42;
	v42 =	vsub.f32 v63, v26;
	v23 =	vld.idx.msk [tilespmem:v12+s19+$0x0], $0xffff;
	v18 =	vtrunc.f32 v41;
	v19 =	vtrunc.f32 v37  }
0x1fc: {  	v12 =	vadd.f32 v56, v62;
	v21 =	vcvt.s32.f32 v27;
	v44 =	vcvt.f32.s32 v16;
	v13 =	vld.idx.msk [tilespmem:v15+s3+$0x0], $0xffff  }
0x1fd: {  	v59 =	vsub.f32 $1.000000000e+00, v42;
	v16 =	vtrunc.f32 v34;
	v46 =	vcvt.f32.s32 v18;
	v18 =	vld.idx.msk [tilespmem:v14+s3+$0x0], $0xffff  }
0x1fe: {  	v50 =	vcvt.f32.s32 v19;
	v54 =	vadd.s32 $0xD0, v47;
	v55 =	vadd.s32 $0x1, v48;
	v27 =	vld.idx.msk [tilespmem:v17+s3+$0x0], $0xffff  }
0x1ff: {  	v2 =	vmovc v43;
	v61 =	vand.u32 $0xFFFFFFF8, v48;
	v4 =	vand.u32 $0x7, v48;
	v43 =	vsub.f32 v57, v21;
	v49 =	vld.idx.msk [tilespmem:v20+s3+$0x0], $0xffff  }
0x200: {  	v39 =	vsub.f32 v39, v45;
	v16 =	vcvt.f32.s32 v16;
	v58 =	vand.u32 $0xFFFFFFF8, v55  }
0x201: {  	[tilespmem:s13+$0xFFFFFFF0] =	vst v12;
	v55 =	vand.u32 $0x7, v55;
	v12 =	vmul.u32 $0xD0, v44;
	v53 =	vsub.f32 $1.000000000e+00, v43  }
0x202: {  	v51 =	vmul.u32 $0xD0, v46;
	v52 =	vadd.s32 $0x1, v50;
	v44 =	vcvt.s32.f32 v44  }
0x203: {  	[tilespmem:$0x1FF20] =	vst v3;
	v3 =	vand.u32 $0x7, v50;
	v13 =	vmul.f32 v53, v13;
	v18 =	vmul.f32 v43, v18  }
0x204: {  	v19 =	vadd.s32 $0x1, v16;
	v27 =	vmul.f32 v53, v27;
	v49 =	vmul.f32 v43, v49  }
0x205: {  	v57 =	vand.u32 $0xFFFFFFF8, v52;
	v60 =	vand.u32 $0xFFFFFFF8, v16;
	v21 =	vadd.s32 $0xD0, v12  }
0x206: {  	v56 =	vadd.s32 $0xD0, v51;
	v13 =	vadd.f32 v13, v18;
	v18 =	vadd.f32 v27, v49  }
0x207: {  	v26 =	vand.u32 $0xFFFFFFF8, v19;
	v63 =	vadd.s32 v61, v56;
	v56 =	vadd.s32 v58, v56  }
0x208: {  	[tilespmem:$0x1FF30] =	vst v2;
	v2 =	vadd.s32 v26, v12;
	v13 =	vmul.f32 v13, v59;
	v18 =	vmul.f32 v18, v42  }
0x209: {  	v27 =	vadd.s32 v60, v21;
	v49 =	vand.u32 $0xFFFFFFF8, v50;
	v21 =	vadd.s32 v26, v21  }
0x20a: {  	v62 =	vadd.s32 v49, v54;
	v54 =	vadd.s32 v57, v54;
	v13 =	vadd.f32 v18, v13  }
0x20b: {  	s12 =	sadd.s32 $0x40, s12;
	v49 =	vadd.s32 v49, v47;
	v47 =	vadd.s32 v57, v47;
	v57 =	vand.u32 $0x7, v19  }
0x20c: {  	v60 =	vadd.s32 v60, v12;
	v12 =	vand.u32 $0x7, v16;
	v19 =	vor.u32 v57, v21;
	[tilespmem:s12+$0x0] =	vst v13  }
0x20d: {  	v61 =	vadd.s32 v61, v51;
	v51 =	vadd.s32 v58, v51;
	v18 =	vor.u32 v12, v27;
	v58 =	vld.idx.msk [tilespmem:v15+s19+$0x0], $0xffff  }
0x20e: {  	[tilespmem:$0x1FF00] =	vst v5;
	v46 =	vcvt.s32.f32 v46;
	v52 =	vand.u32 $0x7, v52;
	v27 =	vor.u32 v57, v2;
	v5 =	vld.idx.msk [tilespmem:v14+s19+$0x0], $0xffff  }
0x20f: {  	v38 =	vsub.f32 v38, v44;
	v13 =	vor.u32 v4, v63;
	v14 =	vor.u32 v52, v54;
	v54 =	vld.idx.msk [tilespmem:v17+s19+$0x0], $0xffff  }
0x210: {  	v26 =	vor.u32 v12, v60;
	v2 =	vcvt.s32.f32 v16;
	v15 =	vor.u32 v3, v62;
	v60 =	vld.idx.msk [tilespmem:v20+s19+$0x0], $0xffff  }
0x211: {  	v21 =	vor.u32 v3, v49;
	v49 =	vmul.f32 v36, v11;
	v36 =	vsub.f32 v41, v46;
	v63 =	vld.idx.msk [tilespmem:v19+s3+$0x0], $0xffff  }
0x212: {  	v12 =	vor.u32 v55, v56;
	v16 =	vor.u32 v55, v51;
	v2 =	vsub.f32 v34, v2;
	v3 =	vld.idx.msk [tilespmem:v18+s3+$0x0], $0xffff  }
0x213: {  	v17 =	vor.u32 v4, v61;
	v4 =	vcvt.s32.f32 v50;
	v62 =	vcvt.s32.f32 v48;
	v61 =	vld.idx.msk [tilespmem:v27+s3+$0x0], $0xffff  }
0x214: {  	v20 =	vor.u32 v52, v47;
	v52 =	vld.idx.msk [tilespmem:v13+s3+$0x0], $0xffff;
	v57 =	vmul.f32 v58, v53;
	v5 =	vmul.f32 v5, v43  }
0x215: {  	v37 =	vsub.f32 v37, v4;
	v4 =	vld.idx.msk [tilespmem:v15+s3+$0x0], $0xffff;
	v58 =	vmul.f32 v54, v53;
	v43 =	vmul.f32 v60, v43  }
0x216: {  	v47 =	vsub.f32 $1.000000000e+00, v2;
	v34 =	vsub.f32 v40, v62;
	v50 =	vld.idx.msk [tilespmem:v14+s3+$0x0], $0xffff  }
0x217: {  	v28 =	vmul.f32 v28, v9;
	v53 =	vld.idx.msk [tilespmem:v12+s3+$0x0], $0xffff;
	v5 =	vadd.f32 v5, v57;
	v43 =	vadd.f32 v43, v58  }
0x218: {  	v40 =	vsub.f32 $1.000000000e+00, v34;
	v62 =	vmul.f32 v2, v63;
	v63 =	vld.idx.msk [tilespmem:v21+s3+$0x0], $0xffff;
	v3 =	vmul.f32 v47, v3  }
0x219: {  	v51 =	vsub.f32 $1.000000000e+00, v37;
	v60 =	vld.idx.msk [tilespmem:v26+s3+$0x0], $0xffff;
	v5 =	vmul.f32 v5, v59;
	v42 =	vmul.f32 v43, v42  }
0x21a: {  	v55 =	vld.idx.msk [tilespmem:v16+s3+$0x0], $0xffff;
	v3 =	vadd.f32 v3, v62;
	v52 =	vmul.f32 v40, v52;
	v62 =	vmul.f32 v31, v11  }
0x21b: {  	v41 =	vsub.f32 $1.000000000e+00, v38;
	v57 =	vld.idx.msk [tilespmem:v20+s3+$0x0], $0xffff;
	v4 =	vmul.f32 v51, v4;
	v58 =	vmul.f32 v37, v50  }
0x21c: {  	v31 =	vmul.f32 v33, v10;
	v33 =	vmul.f32 v30, v1;
	v5 =	vadd.f32 v42, v5  }
0x21d: {  	s13 =	smov.u32 s14;
	s14 =	sadd.s32 $0x40, s14;
	v59 =	vld.idx.msk [tilespmem:v17+s3+$0x0], $0xffff;
	v53 =	vmul.f32 v34, v53;
	v48 =	vmul.f32 v51, v63;
	v4 =	vadd.f32 v4, v58  }
0x21e: {  	s15 =	sadd.s32 $0x4, s15;
	v43 =	vsub.f32 $1.000000000e+00, v36;
	[tilespmem:s14+$0x0] =	vst v5;
	v5 =	vmul.f32 v47, v60;
	v60 =	vmul.f32 v2, v61  }
0x21f: {  	p0 =	slt.u32 s15, $0x11C;
	v63 =	vmul.f32 v34, v55;
	v45 =	vmul.f32 v4, v39;
	v4 =	vadd.f32 v52, v53  }
.Ltmp7:
0x220: {  	v3 =	vmul.f32 v3, v38;
	v46 =	vmul.f32 v37, v57;
	v5 =	vadd.f32 v5, v60;
	(pc) =	sbr.rel @p0 .LBB2_10-.Ltmp7, $4  }
0x221: {  	v42 =	vsub.f32 $1.000000000e+00, v39;
	v61 =	vmul.f32 v32, v9;
	v32 =	vmul.f32 v4, v36  }
0x222: {  	v11 =	vmovc v47;
	v46 =	vadd.f32 v48, v46;
	v4 =	vmul.f32 v40, v59;
	v5 =	vmul.f32 v5, v41  }
0x223: {  	v30 =	vmul.f32 v35, v10;
	v10 =	vmovc v51;
	v28 =	vadd.f32 v28, v62;
	v44 =	vadd.f32 v61, v49  }
0x224: {  	s6 =	sadd.s32 $0x40, s6;
	v9 =	vmovc v2;
	v47 =	vmul.f32 v46, v42;
	v46 =	vadd.f32 v4, v63;
	v48 =	vadd.f32 v3, v5  }
0x225: {  	_ =	sdelay $0x2  }
0x226: {  	[tilespmem:s12+$0xFFFFFFD0] =	vst v48  }
0x227: {  	v2 =	vld.idx.msk [tilespmem:v26+s19+$0x0], $0xffff  }
0x228: {  	v3 =	vadd.f32 v45, v47;
	v4 =	vld.idx.msk [tilespmem:v27+s19+$0x0], $0xffff  }
0x229: {  	v5 =	vld.idx.msk [tilespmem:v18+s19+$0x0], $0xffff  }
0x22a: {  	v60 =	vmul.f32 v46, v43;
	v61 =	vld.idx.msk [tilespmem:v19+s19+$0x0], $0xffff;
	[tilespmem:s12+$0xFFFFFFE0] =	vst v3  }
0x22b: {  	v62 =	vld.idx.msk [tilespmem:v21+s19+$0x0], $0xffff  }
0x22c: {  	v18 =	vadd.f32 v32, v60;
	v20 =	vld.idx.msk [tilespmem:v20+s19+$0x0], $0xffff  }
0x22d: {  	v15 =	vld.idx.msk [tilespmem:v15+s19+$0x0], $0xffff  }
0x22e: {  	v14 =	vld.idx.msk [tilespmem:v14+s19+$0x0], $0xffff;
	[tilespmem:s12+$0xFFFFFFF0] =	vst v18  }
0x22f: {  	v8 =	vmul.f32 v44, v8;
	v44 =	vld [tilespmem:$0x1FF00]  }
0x230: {  	v1 =	vmul.f32 v24, v1;
	v31 =	vadd.f32 v33, v31;
	v45 =	vld.idx.msk [tilespmem:v17+s19+$0x0], $0xffff  }
0x231: {  	v63 =	vmul.f32 v25, v6;
	v29 =	vmul.f32 v29, v0;
	v47 =	vld [tilespmem:$0x1FF10]  }
0x232: {  	v33 =	vmul.f32 v23, v0;
	v46 =	vmul.f32 v31, v7;
	v16 =	vld.idx.msk [tilespmem:v16+s19+$0x0], $0xffff  }
0x233: {  	v32 =	vmul.f32 v22, v6;
	v48 =	vld [tilespmem:$0x1FF30];
	v2 =	vmul.f32 v2, v11  }
0x234: {  	v50 =	vld [tilespmem:$0x1FF20];
	v4 =	vmul.f32 v4, v9;
	v5 =	vmul.f32 v5, v11  }
0x235: {  	v1 =	vadd.f32 v1, v30;
	v13 =	vld.idx.msk [tilespmem:v13+s19+$0x0], $0xffff;
	v3 =	vmul.f32 v61, v9;
	v51 =	vmul.f32 v62, v10  }
0x236: {  	v35 =	vadd.f32 v29, v63;
	v12 =	vld.idx.msk [tilespmem:v12+s19+$0x0], $0xffff;
	v52 =	vmul.f32 v20, v37;
	v53 =	vmul.f32 v15, v10  }
0x237: {  	v0 =	vadd.f32 v33, v32;
	v54 =	vmul.f32 v14, v37;
	v21 =	vmul.f32 v28, v44  }
0x238: {  	v1 =	vmul.f32 v1, v47;
	v49 =	vmul.f32 v35, v48  }
0x239: {  	v2 =	vadd.f32 v4, v2;
	v0 =	vmul.f32 v0, v50;
	v55 =	vmul.f32 v45, v40  }
0x23a: {  	v3 =	vadd.f32 v3, v5;
	v56 =	vmul.f32 v16, v34;
	v57 =	vmul.f32 v13, v40  }
0x23b: {  	v12 =	vmul.f32 v12, v34;
	v9 =	vadd.f32 v52, v51;
	v7 =	vadd.f32 v54, v53  }
0x23c: {  	v2 =	vmul.f32 v2, v41;
	v8 =	vadd.f32 v21, v8;
	v1 =	vadd.f32 v1, v46  }
0x23d: {  	v3 =	vmul.f32 v3, v38;
	v4 =	vadd.f32 v56, v55;
	v5 =	vadd.f32 v12, v57  }
0x23e: {  	v0 =	vadd.f32 v0, v49;
	v58 =	vmul.f32 v9, v42;
	v7 =	vmul.f32 v7, v39;
	[tilespmem:s13+$0xFFFFFFD0] =	vst v8  }
0x23f: {  	v59 =	vadd.f32 v3, v2;
	[tilespmem:s13+$0xFFFFFFE0] =	vst v1;
	v60 =	vmul.f32 v4, v43;
	v61 =	vmul.f32 v5, v36  }
0x240: {  	[tilespmem:s13+$0xFFFFFFF0] =	vst v0;
	v62 =	vadd.f32 v7, v58  }
0x241: {  	s6 =	sadd.s32 s2, s0;
	[tilespmem:s14+$0xFFFFFFD0] =	vst v59;
	v63 =	vadd.f32 v61, v60  }
.Ltmp8:
0x242: {  	s15 =	sadd.s32 s8, s0;
	s6 =	sshrl.u32 s6, $0x3;
	[tilespmem:s14+$0xFFFFFFE0] =	vst v62;
	(pc) =	sbr.rel @p1 .LBB2_13-.Ltmp8, $4  }
0x243: {  	s0 =	sshrl.u32 s15, $0x3;
	s6 =	sadd.s32 s7, s6;
	[tilespmem:s14+$0xFFFFFFF0] =	vst v63  }
0x244: {  	[hbm4b:s6+s3] =	stream.linear.scatter [tilespmem:s31], [sflag:$0x6], $0x1200, $0x38;
	[tilespmem:$0x1CB40] =	vst v63  }
0x245: {  	s0 =	sadd.s32 s7, s0  }
0x246: {  	[hbm4b:s0+s3] =	stream.linear.scatter [tilespmem:s1], [sflag:$0x8], $0x1200, $0x38;
	[tilespmem:$0x1CB40] =	vst v63  }
0x247: {  	s0 =	sadd.s32 s17, s9  }
.Ltmp9:
0x248: {  	s0 =	sshrl.u32 s0, $0x3;
	(pc) =	sbr.rel .LBB2_7-.Ltmp9, $4  }
0x249: {  	s6 =	sadd.s32 s4, s0  }
0x24a: {  	[tilespmem:s22], [sflag:$0x2] =	stream.linear.gather [hbm4b:s6+s3], $0x1200, $0x38;
	[tilespmem:$0x1CB40] =	vst v63  }
0x24b: {  	s10 =	sadd.s32 $0x1, s10;
	s0 =	sadd.s32 s5, s0  }
0x24c: {  	[tilespmem:s23], [sflag:$0x4] =	stream.linear.gather [hbm4b:s0+s3], $0x1200, $0x38;
	[tilespmem:$0x1CB40] =	vst v63  }
.LBB2_15:
0x24d: {  	_ =	sfence.sel $0x180000  }
0x24e: {  	[bflag:$0x0] =	sbarrier.arrive $0xFFFF  }
0x24f: {  	_ =	strace $0x90000047  }
0x250: {  	s0 =	stileid.u32;
	[bflag:$0x2] =	sbarrier.arrive $0xFFFF  }
0x251: {  	p0 =	sne.s32 s0, $0x0;
	s0 =	rddreg [dreg:$0x2]  }
0x252: {  	s0 =	sadd.s32 @!p0 $0x100000, s0  }
0x253: {  	[sflag:s0] =	ssyncadd.tile.s32 @!p0 $0x1;
	_ =	shalt  }
.Lfunc_end2:
_tile_overlayer_lowered:
.L_overlay_start_2:
0x254: {  	(tag) =	ssettag $0x2  }
0x255: {  	s0 =	rddreg [dreg:$0x0];
	s2 =	stileid.u32  }
0x256: {  	s1 =	rddreg [dreg:$0x1];
	p0 =	sne.s32 s2, $0x0  }
0x257: {  	s3 =	rddreg [dreg:$0x2];
	[bflag:$0x3] =	sbarrier.arrive $0xFFFF;
	s2 =	simm.s32 @!p0 $0x1C09  }
0x258: {  	[timem:s3], [sflag:s2] =	dma.local @!p0 [hbm:s0], s1  }
0x259: {  	s0 =	simm.s32 @!p0 $0x9  }
0x25a: {  	_ =	swait.ge @!p0 [sflag:s0], s1  }
0x25b: {  	s1 =	ssub.s32 @!p0 $0x0, s1;
	[sflag:s0] =	ssyncset.done @!p0 $0x0  }
0x25c: {  	[sflag:s0] =	ssyncadd.s32 @!p0 s1  }
0x25d: {  	[bflag:$0x3] =	sbarrier.arrive $0xFFFF  }
0x25e: {  	_ =	shalt  }

</sc_bundles>
